<compile_context>
chip_gen: v7x
topology: tpu7x:2x2x1
jax: 0.10.2.dev20260603
libtpu: 0.0.44.dev20260713+nightly
codegen_flags: <defaults>
</compile_context>

<pallas_src>
import functools

import jax
import jax.numpy as jnp
from jax import lax
from jax.experimental import pallas as pl
from jax.experimental.pallas import tpu as pltpu
from jax.experimental.pallas import tpu_sc as plsc

N = 10000
D = 128
N_PAD = 10240
DUMMY = N
NC = 2
NS = 16
NW = NC * NS
CHUNK = 128
ROWS_PER_SUB = N_PAD // NS
C_U = 1.0
C_SIGMA = 2.0
COEF = (C_SIGMA / D) ** 0.5

_MESH = plsc.VectorSubcoreMesh(core_axis_name="c", subcore_axis_name="s")


@functools.partial(
    pl.kernel,
    out_type=jax.ShapeDtypeStruct((NC * N_PAD, 16), jnp.float32),
    mesh=_MESH,
    scratch_types=[
        pltpu.VMEM((CHUNK,), jnp.int32),
        pltpu.VMEM((CHUNK, 16), jnp.float32),
        pltpu.VMEM((CHUNK, 16), jnp.float32),
        pltpu.VMEM_SHARED((N_PAD, 16), jnp.float32),
    ],
)
def _sc_deg(row_hbm, deg_hbm, idx_v, ones_v, zero_v, deg_sh):
    c = lax.axis_index("c")
    s = lax.axis_index("s")
    w = c * NS + s
    e_pad = row_hbm.shape[0]
    edges_per_tile = e_pad // NW
    chunks_per_tile = edges_per_tile // CHUNK

    @pl.loop(0, CHUNK)
    def _fill(i):
        ones_v[i, :] = jnp.full((16,), 1.0, jnp.float32)
        zero_v[i, :] = jnp.zeros((16,), jnp.float32)

    @pl.loop(0, ROWS_PER_SUB // CHUNK)
    def _zero(j):
        pltpu.sync_copy(zero_v, deg_sh.at[pl.ds(s * ROWS_PER_SUB + j * CHUNK, CHUNK)])

    plsc.subcore_barrier()

    base = w * edges_per_tile

    @pl.loop(0, chunks_per_tile)
    def _hist(ch):
        pltpu.sync_copy(row_hbm.at[pl.ds(base + ch * CHUNK, CHUNK)], idx_v)
        pltpu.sync_copy(ones_v, deg_sh.at[idx_v], add=True)

    plsc.subcore_barrier()
    pltpu.sync_copy(
        deg_sh.at[pl.ds(s * ROWS_PER_SUB, ROWS_PER_SUB)],
        deg_hbm.at[pl.ds(c * N_PAD + s * ROWS_PER_SUB, ROWS_PER_SUB)],
    )


@functools.partial(
    pl.kernel,
    out_type=jax.ShapeDtypeStruct((NC * N_PAD, D), jnp.float32),
    mesh=_MESH,
    scratch_types=[
        pltpu.VMEM((CHUNK,), jnp.int32),
        pltpu.VMEM((CHUNK,), jnp.int32),
        pltpu.VMEM((CHUNK, D), jnp.float32),
        pltpu.VMEM_SHARED((N_PAD, D), jnp.float32),
    ],
)
def _sc_aggr(h2_hbm, row_hbm, col_hbm, acc_hbm, ridx_v, cidx_v, msg_v, acc_sh):
    c = lax.axis_index("c")
    s = lax.axis_index("s")
    w = c * NS + s
    e_pad = row_hbm.shape[0]
    edges_per_tile = e_pad // NW
    chunks_per_tile = edges_per_tile // CHUNK

    @pl.loop(0, CHUNK)
    def _zero_buf(i):
        for j in range(D // 16):
            msg_v[i, pl.ds(j * 16, 16)] = jnp.zeros((16,), jnp.float32)

    @pl.loop(0, ROWS_PER_SUB // CHUNK)
    def _zero_acc(j):
        pltpu.sync_copy(msg_v, acc_sh.at[pl.ds(s * ROWS_PER_SUB + j * CHUNK, CHUNK)])

    plsc.subcore_barrier()

    base = w * edges_per_tile

    @pl.loop(0, chunks_per_tile)
    def _edges(ch):
        off = base + ch * CHUNK
        pltpu.sync_copy(row_hbm.at[pl.ds(off, CHUNK)], ridx_v)
        pltpu.sync_copy(col_hbm.at[pl.ds(off, CHUNK)], cidx_v)
        pltpu.sync_copy(h2_hbm.at[ridx_v], msg_v)
        pltpu.sync_copy(msg_v, acc_sh.at[cidx_v], add=True)

    plsc.subcore_barrier()
    pltpu.sync_copy(
        acc_sh.at[pl.ds(s * ROWS_PER_SUB, ROWS_PER_SUB)],
        acc_hbm.at[pl.ds(c * N_PAD + s * ROWS_PER_SUB, ROWS_PER_SUB)],
    )


_BLK = 1024
_NBLK = N_PAD // _BLK


def _h2_body(x_ref, w_ref, b_ref, d0_ref, d1_ref, o_ref):
    deg = d0_ref[:, 0:1] + d1_ref[:, 0:1] + 1.0
    dis = lax.rsqrt(deg)
    h = lax.dot_general(
        x_ref[...], w_ref[...], (((1,), (1,)), ((), ())),
        preferred_element_type=jnp.float32,
    )
    o_ref[...] = (h + b_ref[...]) * dis


def _tc_h2(x_pad, w, b2, degp):
    return pl.pallas_call(
        _h2_body,
        grid=(_NBLK,),
        in_specs=[
            pl.BlockSpec((_BLK, D), lambda i: (i, 0)),
            pl.BlockSpec((D, D), lambda i: (0, 0)),
            pl.BlockSpec((1, D), lambda i: (0, 0)),
            pl.BlockSpec((_BLK, 16), lambda i: (i, 0)),
            pl.BlockSpec((_BLK, 16), lambda i: (_NBLK + i, 0)),
        ],
        out_specs=pl.BlockSpec((_BLK, D), lambda i: (i, 0)),
        out_shape=jax.ShapeDtypeStruct((N_PAD, D), jnp.float32),
    )(x_pad, w, b2, degp, degp)


def _out_body(a0_ref, a1_ref, h2_ref, d0_ref, d1_ref, o_ref):
    deg = d0_ref[:, 0:1] + d1_ref[:, 0:1] + 1.0
    dis = lax.rsqrt(deg)
    ssum = a0_ref[...] + a1_ref[...] + h2_ref[...]
    o_ref[...] = COEF * jnp.maximum(C_U * ssum * dis, 0.0)


def _tc_out(acc, h2, degp):
    return pl.pallas_call(
        _out_body,
        grid=(_NBLK,),
        in_specs=[
            pl.BlockSpec((_BLK, D), lambda i: (i, 0)),
            pl.BlockSpec((_BLK, D), lambda i: (_NBLK + i, 0)),
            pl.BlockSpec((_BLK, D), lambda i: (i, 0)),
            pl.BlockSpec((_BLK, 16), lambda i: (i, 0)),
            pl.BlockSpec((_BLK, 16), lambda i: (_NBLK + i, 0)),
        ],
        out_specs=pl.BlockSpec((_BLK, D), lambda i: (i, 0)),
        out_shape=jax.ShapeDtypeStruct((N_PAD, D), jnp.float32),
    )(acc, acc, h2, degp, degp)


def kernel(x, edge_index, W, b):
    e = edge_index.shape[1]
    e_pad = ((e + NW * CHUNK - 1) // (NW * CHUNK)) * (NW * CHUNK)
    pad = e_pad - e
    pad_idx = DUMMY + (jnp.arange(pad, dtype=jnp.int32) % (N_PAD - N))
    row = jnp.concatenate([edge_index[0], pad_idx])
    col = jnp.concatenate([edge_index[1], pad_idx])
    x_pad = jnp.concatenate([x, jnp.zeros((N_PAD - N, D), jnp.float32)])

    degp = _sc_deg(row)
    h2 = _tc_h2(x_pad, W, b.reshape(1, D), degp)
    acc = _sc_aggr(h2, row, col)
    out = _tc_out(acc, h2, degp)
    return out[:N]

# --- scband reference (transcript-rebuilt; emitter-appended) ---
"""Pipeline reference for scband-block-41059887350054 (READ-ONLY COPY).

The authoritative reference and input builder live on the scoring server;
editing this copy changes nothing except your own understanding.
"""

import jax, jax.numpy as jnp
import numpy as np

N = 10000
E = 320000
D = 128
C_U = 1.0
C_SIGMA = 2.0
COEF = float(np.sqrt(C_SIGMA / D))


def setup_inputs(seed: int = 0) -> dict:
    key = jax.random.key(seed)
    k1, k2, k3, k4 = jax.random.split(key, 4)
    x = jax.random.normal(k1, (N, D), dtype=jnp.float32)
    edge_index = jax.random.randint(k2, (2, E), 0, N, dtype=jnp.int32)
    # Linear layer params (torch nn.Linear: out = x @ W.T + b)
    bound = 1.0 / np.sqrt(D)
    W = jax.random.uniform(k3, (D, D), minval=-bound, maxval=bound, dtype=jnp.float32)
    b = jax.random.uniform(k4, (D,), minval=-bound, maxval=bound, dtype=jnp.float32)
    return {"x": x, "edge_index": edge_index, "W": W, "b": b}


def reference(x, edge_index, W, b):
    # add_self_loops
    loops = jnp.stack([jnp.arange(N, dtype=edge_index.dtype), jnp.arange(N, dtype=edge_index.dtype)])
    ei = jnp.concatenate([edge_index, loops], axis=1)
    # GCNConv: linear then propagate with aggr='add'
    h = x @ W.T + b
    row = ei[0]
    col = ei[1]
    deg = jnp.bincount(row, length=N).astype(h.dtype)
    deg_inv_sqrt = deg ** -0.5
    norm = deg_inv_sqrt[row] * deg_inv_sqrt[col]
    # message: norm * x_j where x_j = h[row] (source), aggregate at col (target)
    msg = norm[:, None] * jnp.take(h, row, axis=0)
    aggr = jnp.zeros((N, D), dtype=h.dtype).at[col].add(msg)
    # Block forward
    out = COEF * jax.nn.relu(C_U * aggr)
    return out

if __name__ == "__main__":
    import jax
    _d = setup_inputs()
    print(jax.jit(kernel)(*tuple(_d.values())))

</pallas_src>

<mosaic_0001>
#map = affine_map<(d0, d1) -> (0, 0)>
#map1 = affine_map<(d0, d1) -> (0)>
module attributes {stable_mosaic.version = 14 : i64} {
  func.func @_sc_aggr(%arg0: i32, %arg1: i32, %arg2: memref<10240x128xf32, #tpu.memory_space<hbm>>, %arg3: memref<323584xi32, #tpu.memory_space<hbm>>, %arg4: memref<323584xi32, #tpu.memory_space<hbm>>, %arg5: memref<20480x128xf32, #tpu.memory_space<hbm>>, %arg6: memref<128xi32, #tpu.memory_space<vmem>>, %arg7: memref<128xi32, #tpu.memory_space<vmem>>, %arg8: memref<128x128xf32, #tpu.memory_space<vmem>>, %arg9: memref<10240x128xf32, #tpu.memory_space<vmem_shared>>) attributes {dimension_semantics = [#tpu.dimension_semantics<core_parallel>, #tpu.dimension_semantics<subcore_parallel>], iteration_bounds = array<i64: 2, 16>, scalar_prefetch = 0 : i64, scratch_operands = 4 : i64, tpu.core_type = #tpu.core_type<sc_vector_subcore>, window_params = [{transform_indices = #map}, {transform_indices = #map1}, {transform_indices = #map1}, {transform_indices = #map}]} {
    %mul3A = arith.constant 16 : i32
    %mul3A_0 = arith.muli %arg0, %mul3A : i32
    %add3A = arith.addi %mul3A_0, %arg1 : i32
    %scan3A = arith.constant 0 : i32
    %scan3A_1 = arith.constant 128 : i32
    %scan3A_2 = arith.addi %scan3A, %scan3A_1 : i32
    %scan3A_3 = arith.constant 1 : i32
    scf.for %scan3A_25 = %scan3A to %scan3A_2 step %scan3A_3  : i32 {
      %mul3A_26 = arith.constant 1 : i32
      %mul3A_27 = arith.muli %scan3A_25, %mul3A_26 : i32
      %add3A_28 = arith.constant 0 : i32
      %add3A_29 = arith.addi %add3A_28, %mul3A_27 : i32
      %broadcast_in_dim3A = arith.constant 0.000000e+00 : f32
      %broadcast_in_dim3A_30 = vector.broadcast %broadcast_in_dim3A : f32 to vector<16xf32>
      %swap3A = arith.index_cast %add3A_29 : i32 to index
      %swap3A_31 = arith.constant 0 : index
      %swap3A_32 = tpu.vector_load %arg8[%swap3A, %swap3A_31] {strides = array<i32>} : memref<128x128xf32, #tpu.memory_space<vmem>>, vector<1x16xf32>,
      %swap3A_33 = vector.shape_cast %swap3A_32 : vector<1x16xf32> to vector<16xf32>
      %swap3A_34 = vector.shape_cast %broadcast_in_dim3A_30 : vector<16xf32> to vector<1x16xf32>
      tpu.vector_store %arg8[%swap3A, %swap3A_31], %swap3A_34 {strides = array<i32>} : memref<128x128xf32, #tpu.memory_space<vmem>>, vector<1x16xf32>,
      %broadcast_in_dim3A_35 = arith.constant 0.000000e+00 : f32
      %broadcast_in_dim3A_36 = vector.broadcast %broadcast_in_dim3A_35 : f32 to vector<16xf32>
      %swap3A_37 = arith.index_cast %add3A_29 : i32 to index
      %swap3A_38 = arith.constant 16 : index
      %swap3A_39 = tpu.vector_load %arg8[%swap3A_37, %swap3A_38] {strides = array<i32>} : memref<128x128xf32, #tpu.memory_space<vmem>>, vector<1x16xf32>,
      %swap3A_40 = vector.shape_cast %swap3A_39 : vector<1x16xf32> to vector<16xf32>
      %swap3A_41 = vector.shape_cast %broadcast_in_dim3A_36 : vector<16xf32> to vector<1x16xf32>
      tpu.vector_store %arg8[%swap3A_37, %swap3A_38], %swap3A_41 {strides = array<i32>} : memref<128x128xf32, #tpu.memory_space<vmem>>, vector<1x16xf32>,
      %broadcast_in_dim3A_42 = arith.constant 0.000000e+00 : f32
      %broadcast_in_dim3A_43 = vector.broadcast %broadcast_in_dim3A_42 : f32 to vector<16xf32>
      %swap3A_44 = arith.index_cast %add3A_29 : i32 to index
      %swap3A_45 = arith.constant 32 : index
      %swap3A_46 = tpu.vector_load %arg8[%swap3A_44, %swap3A_45] {strides = array<i32>} : memref<128x128xf32, #tpu.memory_space<vmem>>, vector<1x16xf32>,
      %swap3A_47 = vector.shape_cast %swap3A_46 : vector<1x16xf32> to vector<16xf32>
      %swap3A_48 = vector.shape_cast %broadcast_in_dim3A_43 : vector<16xf32> to vector<1x16xf32>
      tpu.vector_store %arg8[%swap3A_44, %swap3A_45], %swap3A_48 {strides = array<i32>} : memref<128x128xf32, #tpu.memory_space<vmem>>, vector<1x16xf32>,
      %broadcast_in_dim3A_49 = arith.constant 0.000000e+00 : f32
      %broadcast_in_dim3A_50 = vector.broadcast %broadcast_in_dim3A_49 : f32 to vector<16xf32>
      %swap3A_51 = arith.index_cast %add3A_29 : i32 to index
      %swap3A_52 = arith.constant 48 : index
      %swap3A_53 = tpu.vector_load %arg8[%swap3A_51, %swap3A_52] {strides = array<i32>} : memref<128x128xf32, #tpu.memory_space<vmem>>, vector<1x16xf32>,
      %swap3A_54 = vector.shape_cast %swap3A_53 : vector<1x16xf32> to vector<16xf32>
      %swap3A_55 = vector.shape_cast %broadcast_in_dim3A_50 : vector<16xf32> to vector<1x16xf32>
      tpu.vector_store %arg8[%swap3A_51, %swap3A_52], %swap3A_55 {strides = array<i32>} : memref<128x128xf32, #tpu.memory_space<vmem>>, vector<1x16xf32>,
      %broadcast_in_dim3A_56 = arith.constant 0.000000e+00 : f32
      %broadcast_in_dim3A_57 = vector.broadcast %broadcast_in_dim3A_56 : f32 to vector<16xf32>
      %swap3A_58 = arith.index_cast %add3A_29 : i32 to index
      %swap3A_59 = arith.constant 64 : index
      %swap3A_60 = tpu.vector_load %arg8[%swap3A_58, %swap3A_59] {strides = array<i32>} : memref<128x128xf32, #tpu.memory_space<vmem>>, vector<1x16xf32>,
      %swap3A_61 = vector.shape_cast %swap3A_60 : vector<1x16xf32> to vector<16xf32>
      %swap3A_62 = vector.shape_cast %broadcast_in_dim3A_57 : vector<16xf32> to vector<1x16xf32>
      tpu.vector_store %arg8[%swap3A_58, %swap3A_59], %swap3A_62 {strides = array<i32>} : memref<128x128xf32, #tpu.memory_space<vmem>>, vector<1x16xf32>,
      %broadcast_in_dim3A_63 = arith.constant 0.000000e+00 : f32
      %broadcast_in_dim3A_64 = vector.broadcast %broadcast_in_dim3A_63 : f32 to vector<16xf32>
      %swap3A_65 = arith.index_cast %add3A_29 : i32 to index
      %swap3A_66 = arith.constant 80 : index
      %swap3A_67 = tpu.vector_load %arg8[%swap3A_65, %swap3A_66] {strides = array<i32>} : memref<128x128xf32, #tpu.memory_space<vmem>>, vector<1x16xf32>,
      %swap3A_68 = vector.shape_cast %swap3A_67 : vector<1x16xf32> to vector<16xf32>
      %swap3A_69 = vector.shape_cast %broadcast_in_dim3A_64 : vector<16xf32> to vector<1x16xf32>
      tpu.vector_store %arg8[%swap3A_65, %swap3A_66], %swap3A_69 {strides = array<i32>} : memref<128x128xf32, #tpu.memory_space<vmem>>, vector<1x16xf32>,
      %broadcast_in_dim3A_70 = arith.constant 0.000000e+00 : f32
      %broadcast_in_dim3A_71 = vector.broadcast %broadcast_in_dim3A_70 : f32 to vector<16xf32>
      %swap3A_72 = arith.index_cast %add3A_29 : i32 to index
      %swap3A_73 = arith.constant 96 : index
      %swap3A_74 = tpu.vector_load %arg8[%swap3A_72, %swap3A_73] {strides = array<i32>} : memref<128x128xf32, #tpu.memory_space<vmem>>, vector<1x16xf32>,
      %swap3A_75 = vector.shape_cast %swap3A_74 : vector<1x16xf32> to vector<16xf32>
      %swap3A_76 = vector.shape_cast %broadcast_in_dim3A_71 : vector<16xf32> to vector<1x16xf32>
      tpu.vector_store %arg8[%swap3A_72, %swap3A_73], %swap3A_76 {strides = array<i32>} : memref<128x128xf32, #tpu.memory_space<vmem>>, vector<1x16xf32>,
      %broadcast_in_dim3A_77 = arith.constant 0.000000e+00 : f32
      %broadcast_in_dim3A_78 = vector.broadcast %broadcast_in_dim3A_77 : f32 to vector<16xf32>
      %swap3A_79 = arith.index_cast %add3A_29 : i32 to index
      %swap3A_80 = arith.constant 112 : index
      %swap3A_81 = tpu.vector_load %arg8[%swap3A_79, %swap3A_80] {strides = array<i32>} : memref<128x128xf32, #tpu.memory_space<vmem>>, vector<1x16xf32>,
      %swap3A_82 = vector.shape_cast %swap3A_81 : vector<1x16xf32> to vector<16xf32>
      %swap3A_83 = vector.shape_cast %broadcast_in_dim3A_78 : vector<16xf32> to vector<1x16xf32>
      tpu.vector_store %arg8[%swap3A_79, %swap3A_80], %swap3A_83 {strides = array<i32>} : memref<128x128xf32, #tpu.memory_space<vmem>>, vector<1x16xf32>,
    }
    %scan3A_4 = arith.constant 128 : i32
    %scan3A_5 = arith.constant 0 : i32
    %scan3A_6 = arith.constant 5 : i32
    %scan3A_7 = arith.addi %scan3A_5, %scan3A_6 : i32
    %scan3A_8 = arith.constant 1 : i32
    scf.for %scan3A_25 = %scan3A_5 to %scan3A_7 step %scan3A_8  : i32 {
      %mul3A_26 = arith.constant 1 : i32
      %mul3A_27 = arith.muli %scan3A_25, %mul3A_26 : i32
      %add3A_28 = arith.constant 0 : i32
      %add3A_29 = arith.addi %add3A_28, %mul3A_27 : i32
      %mul3A_30 = arith.constant 640 : i32
      %mul3A_31 = arith.muli %arg1, %mul3A_30 : i32
      %mul3A_32 = arith.constant 128 : i32
      %mul3A_33 = arith.muli %add3A_29, %mul3A_32 : i32
      %add3A_34 = arith.addi %mul3A_31, %mul3A_33 : i32
      "tpu.region"() ({
        %run_scoped3A = tpu.sem_alloc : memref<!tpu.dma_semaphore, #tpu.memory_space<semaphore_mem>>
        %dma_start3A = arith.constant 0 : i32
        %dma_start3A_35 = tpu.memref_slice %arg9[%add3A_34, %dma_start3A] : memref<10240x128xf32, #tpu.memory_space<vmem_shared>> -> memref<128x128xf32, #tpu.memory_space<vmem_shared>>
        %dma_start3A_36 = arith.constant 0 : i32
        %dma_start3A_37 = tpu.memref_slice %arg9[%add3A_34, %dma_start3A_36] : memref<10240x128xf32, #tpu.memory_space<vmem_shared>> -> memref<128x128xf32, #tpu.memory_space<vmem_shared>>
        tpu.enqueue_dma source(%arg8 : memref<128x128xf32, #tpu.memory_space<vmem>>) target(%dma_start3A_37 : memref<128x128xf32, #tpu.memory_space<vmem_shared>>) target_semaphore(%run_scoped3A : memref<!tpu.dma_semaphore, #tpu.memory_space<semaphore_mem>>)
        %dma_wait3A = arith.constant 0 : i32
        %dma_wait3A_38 = tpu.memref_slice %arg9[%add3A_34, %dma_wait3A] : memref<10240x128xf32, #tpu.memory_space<vmem_shared>> -> memref<128x128xf32, #tpu.memory_space<vmem_shared>>
        %dma_wait3A_39 = arith.constant 0 : i32
        %dma_wait3A_40 = tpu.memref_slice %arg9[%add3A_34, %dma_wait3A_39] : memref<10240x128xf32, #tpu.memory_space<vmem_shared>> -> memref<128x128xf32, #tpu.memory_space<vmem_shared>>
        tpu.wait_dma2 semaphore(%run_scoped3A : memref<!tpu.dma_semaphore, #tpu.memory_space<semaphore_mem>>) src(%arg8 : memref<128x128xf32, #tpu.memory_space<vmem>>) dst(%dma_wait3A_40 : memref<128x128xf32, #tpu.memory_space<vmem_shared>>)
        tpu.yield
      }) : () -> ()
    }
    %scan3A_9 = arith.constant 5 : i32
    %barrier3A = arith.constant 0 : index
    tpu.barrier barrier_id(%barrier3A)
    %mul3A_10 = arith.constant 10112 : i32
    %mul3A_11 = arith.muli %add3A, %mul3A_10 : i32
    %scan3A_12 = arith.constant 0 : i32
    %scan3A_13 = arith.constant 79 : i32
    %scan3A_14 = arith.addi %scan3A_12, %scan3A_13 : i32
    %scan3A_15 = arith.constant 1 : i32
    scf.for %scan3A_25 = %scan3A_12 to %scan3A_14 step %scan3A_15  : i32 {
      %mul3A_26 = arith.constant 1 : i32
      %mul3A_27 = arith.muli %scan3A_25, %mul3A_26 : i32
      %add3A_28 = arith.constant 0 : i32
      %add3A_29 = arith.addi %add3A_28, %mul3A_27 : i32
      %mul3A_30 = arith.constant 128 : i32
      %mul3A_31 = arith.muli %add3A_29, %mul3A_30 : i32
      %add3A_32 = arith.addi %mul3A_11, %mul3A_31 : i32
      "tpu.region"() ({
        %run_scoped3A = tpu.sem_alloc : memref<!tpu.dma_semaphore, #tpu.memory_space<semaphore_mem>>
        %dma_start3A = tpu.memref_slice %arg3[%add3A_32] : memref<323584xi32, #tpu.memory_space<hbm>> -> memref<128xi32, #tpu.memory_space<hbm>>
        %dma_start3A_33 = tpu.memref_slice %arg3[%add3A_32] : memref<323584xi32, #tpu.memory_space<hbm>> -> memref<128xi32, #tpu.memory_space<hbm>>
        tpu.enqueue_dma source(%dma_start3A_33 : memref<128xi32, #tpu.memory_space<hbm>>) target(%arg6 : memref<128xi32, #tpu.memory_space<vmem>>) target_semaphore(%run_scoped3A : memref<!tpu.dma_semaphore, #tpu.memory_space<semaphore_mem>>)
        %dma_wait3A = tpu.memref_slice %arg3[%add3A_32] : memref<323584xi32, #tpu.memory_space<hbm>> -> memref<128xi32, #tpu.memory_space<hbm>>
        %dma_wait3A_34 = tpu.memref_slice %arg3[%add3A_32] : memref<323584xi32, #tpu.memory_space<hbm>> -> memref<128xi32, #tpu.memory_space<hbm>>
        tpu.wait_dma2 semaphore(%run_scoped3A : memref<!tpu.dma_semaphore, #tpu.memory_space<semaphore_mem>>) src(%dma_wait3A_34 : memref<128xi32, #tpu.memory_space<hbm>>) dst(%arg6 : memref<128xi32, #tpu.memory_space<vmem>>)
        tpu.yield
      }) : () -> ()
      "tpu.region"() ({
        %run_scoped3A = tpu.sem_alloc : memref<!tpu.dma_semaphore, #tpu.memory_space<semaphore_mem>>
        %dma_start3A = tpu.memref_slice %arg4[%add3A_32] : memref<323584xi32, #tpu.memory_space<hbm>> -> memref<128xi32, #tpu.memory_space<hbm>>
        %dma_start3A_33 = tpu.memref_slice %arg4[%add3A_32] : memref<323584xi32, #tpu.memory_space<hbm>> -> memref<128xi32, #tpu.memory_space<hbm>>
        tpu.enqueue_dma source(%dma_start3A_33 : memref<128xi32, #tpu.memory_space<hbm>>) target(%arg7 : memref<128xi32, #tpu.memory_space<vmem>>) target_semaphore(%run_scoped3A : memref<!tpu.dma_semaphore, #tpu.memory_space<semaphore_mem>>)
        %dma_wait3A = tpu.memref_slice %arg4[%add3A_32] : memref<323584xi32, #tpu.memory_space<hbm>> -> memref<128xi32, #tpu.memory_space<hbm>>
        %dma_wait3A_34 = tpu.memref_slice %arg4[%add3A_32] : memref<323584xi32, #tpu.memory_space<hbm>> -> memref<128xi32, #tpu.memory_space<hbm>>
        tpu.wait_dma2 semaphore(%run_scoped3A : memref<!tpu.dma_semaphore, #tpu.memory_space<semaphore_mem>>) src(%dma_wait3A_34 : memref<128xi32, #tpu.memory_space<hbm>>) dst(%arg7 : memref<128xi32, #tpu.memory_space<vmem>>)
        tpu.yield
      }) : () -> ()
      "tpu.region"() ({
        %run_scoped3A = tpu.sem_alloc : memref<!tpu.dma_semaphore, #tpu.memory_space<semaphore_mem>>
        %dma_start3A = arith.constant 0 : i32
        %dma_start3A_33 = arith.constant 0 : i32
        %dma_start3A_34 = tpu.memref_slice %arg2[%dma_start3A, %dma_start3A_33] : memref<10240x128xf32, #tpu.memory_space<hbm>> -> memref<10240x128xf32, #tpu.memory_space<hbm>>
        tpu.enqueue_indirect_dma source(%dma_start3A_34 : memref<10240x128xf32, #tpu.memory_space<hbm>>) target(%arg8 : memref<128x128xf32, #tpu.memory_space<vmem>>) offsets(%arg6 : memref<128xi32, #tpu.memory_space<vmem>>) semaphore(%run_scoped3A : memref<!tpu.dma_semaphore, #tpu.memory_space<semaphore_mem>>)
        %dma_wait3A = arith.constant 0 : i32
        %dma_wait3A_35 = arith.constant 0 : i32
        %dma_wait3A_36 = tpu.memref_slice %arg2[%dma_wait3A, %dma_wait3A_35] : memref<10240x128xf32, #tpu.memory_space<hbm>> -> memref<10240x128xf32, #tpu.memory_space<hbm>>
        tpu.wait_indirect_dma semaphore(%run_scoped3A : memref<!tpu.dma_semaphore, #tpu.memory_space<semaphore_mem>>) src(%dma_wait3A_36 : memref<10240x128xf32, #tpu.memory_space<hbm>>) dst(%arg8 : memref<128x128xf32, #tpu.memory_space<vmem>>)
        tpu.yield
      }) : () -> ()
      "tpu.region"() ({
        %run_scoped3A = tpu.sem_alloc : memref<!tpu.dma_semaphore, #tpu.memory_space<semaphore_mem>>
        %dma_start3A = arith.constant 0 : i32
        %dma_start3A_33 = arith.constant 0 : i32
        %dma_start3A_34 = tpu.memref_slice %arg9[%dma_start3A, %dma_start3A_33] : memref<10240x128xf32, #tpu.memory_space<vmem_shared>> -> memref<10240x128xf32, #tpu.memory_space<vmem_shared>>
        tpu.enqueue_indirect_dma source(%arg8 : memref<128x128xf32, #tpu.memory_space<vmem>>) target(%dma_start3A_34 : memref<10240x128xf32, #tpu.memory_space<vmem_shared>>) offsets(%arg7 : memref<128xi32, #tpu.memory_space<vmem>>) semaphore(%run_scoped3A : memref<!tpu.dma_semaphore, #tpu.memory_space<semaphore_mem>>) {add = true}
        %dma_wait3A = arith.constant 0 : i32
        %dma_wait3A_35 = arith.constant 0 : i32
        %dma_wait3A_36 = tpu.memref_slice %arg9[%dma_wait3A, %dma_wait3A_35] : memref<10240x128xf32, #tpu.memory_space<vmem_shared>> -> memref<10240x128xf32, #tpu.memory_space<vmem_shared>>
        tpu.wait_indirect_dma semaphore(%run_scoped3A : memref<!tpu.dma_semaphore, #tpu.memory_space<semaphore_mem>>) src(%arg8 : memref<128x128xf32, #tpu.memory_space<vmem>>) dst(%dma_wait3A_36 : memref<10240x128xf32, #tpu.memory_space<vmem_shared>>)
        tpu.yield
      }) : () -> ()
    }
    %scan3A_16 = arith.constant 79 : i32
    %barrier3A_17 = arith.constant 0 : index
    tpu.barrier barrier_id(%barrier3A_17)
    %mul3A_18 = arith.constant 640 : i32
    %mul3A_19 = arith.muli %arg1, %mul3A_18 : i32
    %mul3A_20 = arith.constant 10240 : i32
    %mul3A_21 = arith.muli %arg0, %mul3A_20 : i32
    %mul3A_22 = arith.constant 640 : i32
    %mul3A_23 = arith.muli %arg1, %mul3A_22 : i32
    %add3A_24 = arith.addi %mul3A_21, %mul3A_23 : i32
    "tpu.region"() ({
      %run_scoped3A = tpu.sem_alloc : memref<!tpu.dma_semaphore, #tpu.memory_space<semaphore_mem>>
      %dma_start3A = arith.constant 0 : i32
      %dma_start3A_25 = tpu.memref_slice %arg5[%add3A_24, %dma_start3A] : memref<20480x128xf32, #tpu.memory_space<hbm>> -> memref<640x128xf32, #tpu.memory_space<hbm>>
      %dma_start3A_26 = arith.constant 0 : i32
      %dma_start3A_27 = tpu.memref_slice %arg9[%mul3A_19, %dma_start3A_26] : memref<10240x128xf32, #tpu.memory_space<vmem_shared>> -> memref<640x128xf32, #tpu.memory_space<vmem_shared>>
      tpu.enqueue_dma source(%dma_start3A_27 : memref<640x128xf32, #tpu.memory_space<vmem_shared>>) target(%dma_start3A_25 : memref<640x128xf32, #tpu.memory_space<hbm>>) target_semaphore(%run_scoped3A : memref<!tpu.dma_semaphore, #tpu.memory_space<semaphore_mem>>)
      %dma_wait3A = arith.constant 0 : i32
      %dma_wait3A_28 = tpu.memref_slice %arg5[%add3A_24, %dma_wait3A] : memref<20480x128xf32, #tpu.memory_space<hbm>> -> memref<640x128xf32, #tpu.memory_space<hbm>>
      %dma_wait3A_29 = arith.constant 0 : i32
      %dma_wait3A_30 = tpu.memref_slice %arg9[%mul3A_19, %dma_wait3A_29] : memref<10240x128xf32, #tpu.memory_space<vmem_shared>> -> memref<640x128xf32, #tpu.memory_space<vmem_shared>>
      tpu.wait_dma2 semaphore(%run_scoped3A : memref<!tpu.dma_semaphore, #tpu.memory_space<semaphore_mem>>) src(%dma_wait3A_30 : memref<640x128xf32, #tpu.memory_space<vmem_shared>>) dst(%dma_wait3A_28 : memref<640x128xf32, #tpu.memory_space<hbm>>)
      tpu.yield
    }) : () -> ()
    return
  }
}

#map = affine_map<(d0, d1) -> (0)>
#map1 = affine_map<(d0, d1) -> (0, 0)>
module attributes {stable_mosaic.version = 14 : i64} {
  func.func @_sc_deg(%arg0: i32, %arg1: i32, %arg2: memref<323584xi32, #tpu.memory_space<hbm>>, %arg3: memref<20480x16xf32, #tpu.memory_space<hbm>>, %arg4: memref<128xi32, #tpu.memory_space<vmem>>, %arg5: memref<128x16xf32, #tpu.memory_space<vmem>>, %arg6: memref<128x16xf32, #tpu.memory_space<vmem>>, %arg7: memref<10240x16xf32, #tpu.memory_space<vmem_shared>>) attributes {dimension_semantics = [#tpu.dimension_semantics<core_parallel>, #tpu.dimension_semantics<subcore_parallel>], iteration_bounds = array<i64: 2, 16>, scalar_prefetch = 0 : i64, scratch_operands = 4 : i64, tpu.core_type = #tpu.core_type<sc_vector_subcore>, window_params = [{transform_indices = #map}, {transform_indices = #map1}]} {
    %mul3A = arith.constant 16 : i32
    %mul3A_0 = arith.muli %arg0, %mul3A : i32
    %add3A = arith.addi %mul3A_0, %arg1 : i32
    %scan3A = arith.constant 0 : i32
    %scan3A_1 = arith.constant 128 : i32
    %scan3A_2 = arith.addi %scan3A, %scan3A_1 : i32
    %scan3A_3 = arith.constant 1 : i32
    scf.for %scan3A_25 = %scan3A to %scan3A_2 step %scan3A_3  : i32 {
      %mul3A_26 = arith.constant 1 : i32
      %mul3A_27 = arith.muli %scan3A_25, %mul3A_26 : i32
      %add3A_28 = arith.constant 0 : i32
      %add3A_29 = arith.addi %add3A_28, %mul3A_27 : i32
      %broadcast_in_dim3A = arith.constant 1.000000e+00 : f32
      %broadcast_in_dim3A_30 = vector.broadcast %broadcast_in_dim3A : f32 to vector<16xf32>
      %swap3A = arith.index_cast %add3A_29 : i32 to index
      %swap3A_31 = arith.constant 0 : index
      %swap3A_32 = tpu.vector_load %arg5[%swap3A, %swap3A_31] {strides = array<i32>} : memref<128x16xf32, #tpu.memory_space<vmem>>, vector<1x16xf32>,
      %swap3A_33 = vector.shape_cast %swap3A_32 : vector<1x16xf32> to vector<16xf32>
      %swap3A_34 = vector.shape_cast %broadcast_in_dim3A_30 : vector<16xf32> to vector<1x16xf32>
      tpu.vector_store %arg5[%swap3A, %swap3A_31], %swap3A_34 {strides = array<i32>} : memref<128x16xf32, #tpu.memory_space<vmem>>, vector<1x16xf32>,
      %broadcast_in_dim3A_35 = arith.constant 0.000000e+00 : f32
      %broadcast_in_dim3A_36 = vector.broadcast %broadcast_in_dim3A_35 : f32 to vector<16xf32>
      %swap3A_37 = arith.index_cast %add3A_29 : i32 to index
      %swap3A_38 = arith.constant 0 : index
      %swap3A_39 = tpu.vector_load %arg6[%swap3A_37, %swap3A_38] {strides = array<i32>} : memref<128x16xf32, #tpu.memory_space<vmem>>, vector<1x16xf32>,
      %swap3A_40 = vector.shape_cast %swap3A_39 : vector<1x16xf32> to vector<16xf32>
      %swap3A_41 = vector.shape_cast %broadcast_in_dim3A_36 : vector<16xf32> to vector<1x16xf32>
      tpu.vector_store %arg6[%swap3A_37, %swap3A_38], %swap3A_41 {strides = array<i32>} : memref<128x16xf32, #tpu.memory_space<vmem>>, vector<1x16xf32>,
    }
    %scan3A_4 = arith.constant 128 : i32
    %scan3A_5 = arith.constant 0 : i32
    %scan3A_6 = arith.constant 5 : i32
    %scan3A_7 = arith.addi %scan3A_5, %scan3A_6 : i32
    %scan3A_8 = arith.constant 1 : i32
    scf.for %scan3A_25 = %scan3A_5 to %scan3A_7 step %scan3A_8  : i32 {
      %mul3A_26 = arith.constant 1 : i32
      %mul3A_27 = arith.muli %scan3A_25, %mul3A_26 : i32
      %add3A_28 = arith.constant 0 : i32
      %add3A_29 = arith.addi %add3A_28, %mul3A_27 : i32
      %mul3A_30 = arith.constant 640 : i32
      %mul3A_31 = arith.muli %arg1, %mul3A_30 : i32
      %mul3A_32 = arith.constant 128 : i32
      %mul3A_33 = arith.muli %add3A_29, %mul3A_32 : i32
      %add3A_34 = arith.addi %mul3A_31, %mul3A_33 : i32
      "tpu.region"() ({
        %run_scoped3A = tpu.sem_alloc : memref<!tpu.dma_semaphore, #tpu.memory_space<semaphore_mem>>
        %dma_start3A = arith.constant 0 : i32
        %dma_start3A_35 = tpu.memref_slice %arg7[%add3A_34, %dma_start3A] : memref<10240x16xf32, #tpu.memory_space<vmem_shared>> -> memref<128x16xf32, #tpu.memory_space<vmem_shared>>
        %dma_start3A_36 = arith.constant 0 : i32
        %dma_start3A_37 = tpu.memref_slice %arg7[%add3A_34, %dma_start3A_36] : memref<10240x16xf32, #tpu.memory_space<vmem_shared>> -> memref<128x16xf32, #tpu.memory_space<vmem_shared>>
        tpu.enqueue_dma source(%arg6 : memref<128x16xf32, #tpu.memory_space<vmem>>) target(%dma_start3A_37 : memref<128x16xf32, #tpu.memory_space<vmem_shared>>) target_semaphore(%run_scoped3A : memref<!tpu.dma_semaphore, #tpu.memory_space<semaphore_mem>>)
        %dma_wait3A = arith.constant 0 : i32
        %dma_wait3A_38 = tpu.memref_slice %arg7[%add3A_34, %dma_wait3A] : memref<10240x16xf32, #tpu.memory_space<vmem_shared>> -> memref<128x16xf32, #tpu.memory_space<vmem_shared>>
        %dma_wait3A_39 = arith.constant 0 : i32
        %dma_wait3A_40 = tpu.memref_slice %arg7[%add3A_34, %dma_wait3A_39] : memref<10240x16xf32, #tpu.memory_space<vmem_shared>> -> memref<128x16xf32, #tpu.memory_space<vmem_shared>>
        tpu.wait_dma2 semaphore(%run_scoped3A : memref<!tpu.dma_semaphore, #tpu.memory_space<semaphore_mem>>) src(%arg6 : memref<128x16xf32, #tpu.memory_space<vmem>>) dst(%dma_wait3A_40 : memref<128x16xf32, #tpu.memory_space<vmem_shared>>)
        tpu.yield
      }) : () -> ()
    }
    %scan3A_9 = arith.constant 5 : i32
    %barrier3A = arith.constant 0 : index
    tpu.barrier barrier_id(%barrier3A)
    %mul3A_10 = arith.constant 10112 : i32
    %mul3A_11 = arith.muli %add3A, %mul3A_10 : i32
    %scan3A_12 = arith.constant 0 : i32
    %scan3A_13 = arith.constant 79 : i32
    %scan3A_14 = arith.addi %scan3A_12, %scan3A_13 : i32
    %scan3A_15 = arith.constant 1 : i32
    scf.for %scan3A_25 = %scan3A_12 to %scan3A_14 step %scan3A_15  : i32 {
      %mul3A_26 = arith.constant 1 : i32
      %mul3A_27 = arith.muli %scan3A_25, %mul3A_26 : i32
      %add3A_28 = arith.constant 0 : i32
      %add3A_29 = arith.addi %add3A_28, %mul3A_27 : i32
      %mul3A_30 = arith.constant 128 : i32
      %mul3A_31 = arith.muli %add3A_29, %mul3A_30 : i32
      %add3A_32 = arith.addi %mul3A_11, %mul3A_31 : i32
      "tpu.region"() ({
        %run_scoped3A = tpu.sem_alloc : memref<!tpu.dma_semaphore, #tpu.memory_space<semaphore_mem>>
        %dma_start3A = tpu.memref_slice %arg2[%add3A_32] : memref<323584xi32, #tpu.memory_space<hbm>> -> memref<128xi32, #tpu.memory_space<hbm>>
        %dma_start3A_33 = tpu.memref_slice %arg2[%add3A_32] : memref<323584xi32, #tpu.memory_space<hbm>> -> memref<128xi32, #tpu.memory_space<hbm>>
        tpu.enqueue_dma source(%dma_start3A_33 : memref<128xi32, #tpu.memory_space<hbm>>) target(%arg4 : memref<128xi32, #tpu.memory_space<vmem>>) target_semaphore(%run_scoped3A : memref<!tpu.dma_semaphore, #tpu.memory_space<semaphore_mem>>)
        %dma_wait3A = tpu.memref_slice %arg2[%add3A_32] : memref<323584xi32, #tpu.memory_space<hbm>> -> memref<128xi32, #tpu.memory_space<hbm>>
        %dma_wait3A_34 = tpu.memref_slice %arg2[%add3A_32] : memref<323584xi32, #tpu.memory_space<hbm>> -> memref<128xi32, #tpu.memory_space<hbm>>
        tpu.wait_dma2 semaphore(%run_scoped3A : memref<!tpu.dma_semaphore, #tpu.memory_space<semaphore_mem>>) src(%dma_wait3A_34 : memref<128xi32, #tpu.memory_space<hbm>>) dst(%arg4 : memref<128xi32, #tpu.memory_space<vmem>>)
        tpu.yield
      }) : () -> ()
      "tpu.region"() ({
        %run_scoped3A = tpu.sem_alloc : memref<!tpu.dma_semaphore, #tpu.memory_space<semaphore_mem>>
        %dma_start3A = arith.constant 0 : i32
        %dma_start3A_33 = arith.constant 0 : i32
        %dma_start3A_34 = tpu.memref_slice %arg7[%dma_start3A, %dma_start3A_33] : memref<10240x16xf32, #tpu.memory_space<vmem_shared>> -> memref<10240x16xf32, #tpu.memory_space<vmem_shared>>
        tpu.enqueue_indirect_dma source(%arg5 : memref<128x16xf32, #tpu.memory_space<vmem>>) target(%dma_start3A_34 : memref<10240x16xf32, #tpu.memory_space<vmem_shared>>) offsets(%arg4 : memref<128xi32, #tpu.memory_space<vmem>>) semaphore(%run_scoped3A : memref<!tpu.dma_semaphore, #tpu.memory_space<semaphore_mem>>) {add = true}
        %dma_wait3A = arith.constant 0 : i32
        %dma_wait3A_35 = arith.constant 0 : i32
        %dma_wait3A_36 = tpu.memref_slice %arg7[%dma_wait3A, %dma_wait3A_35] : memref<10240x16xf32, #tpu.memory_space<vmem_shared>> -> memref<10240x16xf32, #tpu.memory_space<vmem_shared>>
        tpu.wait_indirect_dma semaphore(%run_scoped3A : memref<!tpu.dma_semaphore, #tpu.memory_space<semaphore_mem>>) src(%arg5 : memref<128x16xf32, #tpu.memory_space<vmem>>) dst(%dma_wait3A_36 : memref<10240x16xf32, #tpu.memory_space<vmem_shared>>)
        tpu.yield
      }) : () -> ()
    }
    %scan3A_16 = arith.constant 79 : i32
    %barrier3A_17 = arith.constant 0 : index
    tpu.barrier barrier_id(%barrier3A_17)
    %mul3A_18 = arith.constant 640 : i32
    %mul3A_19 = arith.muli %arg1, %mul3A_18 : i32
    %mul3A_20 = arith.constant 10240 : i32
    %mul3A_21 = arith.muli %arg0, %mul3A_20 : i32
    %mul3A_22 = arith.constant 640 : i32
    %mul3A_23 = arith.muli %arg1, %mul3A_22 : i32
    %add3A_24 = arith.addi %mul3A_21, %mul3A_23 : i32
    "tpu.region"() ({
      %run_scoped3A = tpu.sem_alloc : memref<!tpu.dma_semaphore, #tpu.memory_space<semaphore_mem>>
      %dma_start3A = arith.constant 0 : i32
      %dma_start3A_25 = tpu.memref_slice %arg3[%add3A_24, %dma_start3A] : memref<20480x16xf32, #tpu.memory_space<hbm>> -> memref<640x16xf32, #tpu.memory_space<hbm>>
      %dma_start3A_26 = arith.constant 0 : i32
      %dma_start3A_27 = tpu.memref_slice %arg7[%mul3A_19, %dma_start3A_26] : memref<10240x16xf32, #tpu.memory_space<vmem_shared>> -> memref<640x16xf32, #tpu.memory_space<vmem_shared>>
      tpu.enqueue_dma source(%dma_start3A_27 : memref<640x16xf32, #tpu.memory_space<vmem_shared>>) target(%dma_start3A_25 : memref<640x16xf32, #tpu.memory_space<hbm>>) target_semaphore(%run_scoped3A : memref<!tpu.dma_semaphore, #tpu.memory_space<semaphore_mem>>)
      %dma_wait3A = arith.constant 0 : i32
      %dma_wait3A_28 = tpu.memref_slice %arg3[%add3A_24, %dma_wait3A] : memref<20480x16xf32, #tpu.memory_space<hbm>> -> memref<640x16xf32, #tpu.memory_space<hbm>>
      %dma_wait3A_29 = arith.constant 0 : i32
      %dma_wait3A_30 = tpu.memref_slice %arg7[%mul3A_19, %dma_wait3A_29] : memref<10240x16xf32, #tpu.memory_space<vmem_shared>> -> memref<640x16xf32, #tpu.memory_space<vmem_shared>>
      tpu.wait_dma2 semaphore(%run_scoped3A : memref<!tpu.dma_semaphore, #tpu.memory_space<semaphore_mem>>) src(%dma_wait3A_30 : memref<640x16xf32, #tpu.memory_space<vmem_shared>>) dst(%dma_wait3A_28 : memref<640x16xf32, #tpu.memory_space<hbm>>)
      tpu.yield
    }) : () -> ()
    return
  }
}

module attributes {stable_mosaic.version = 14 : i64} {
  func.func @_h2_body(%arg0: i32, %arg1: memref<1024x128xf32, #tpu.memory_space<vmem>>, %arg2: memref<128x128xf32, #tpu.memory_space<vmem>>, %arg3: memref<1x128xf32, #tpu.memory_space<vmem>>, %arg4: memref<1024x16xf32, #tpu.memory_space<vmem>>, %arg5: memref<1024x16xf32, #tpu.memory_space<vmem>>, %arg6: memref<1024x128xf32, #tpu.memory_space<vmem>>) attributes {dimension_semantics = [#tpu.dimension_semantics<arbitrary>], iteration_bounds = array<i64: 10>, scalar_prefetch = 0 : i64, scratch_operands = 0 : i64, tpu.core_type = #tpu.core_type<tc>, window_params = [{transform_indices = @transform_0, window_bounds = array<i64: 1024, 128>}, {pipeline_mode = #tpu.pipeline_mode<synchronous>, transform_indices = @transform_1, window_bounds = array<i64: 128, 128>}, {pipeline_mode = #tpu.pipeline_mode<synchronous>, transform_indices = @transform_2, window_bounds = array<i64: 1, 128>}, {transform_indices = @transform_3, window_bounds = array<i64: 1024, 16>}, {transform_indices = @transform_4, window_bounds = array<i64: 1024, 16>}, {transform_indices = @transform_5, window_bounds = array<i64: 1024, 128>}]} {
    %get3A = arith.constant 0 : index
    %get3A_0 = arith.constant 0 : index
    %get3A_1 = vector.load %arg4[%get3A, %get3A_0] : memref<1024x16xf32, #tpu.memory_space<vmem>>, vector<1024x1xf32>
    %get3A_2 = arith.constant 0 : index
    %get3A_3 = arith.constant 0 : index
    %get3A_4 = vector.load %arg5[%get3A_2, %get3A_3] : memref<1024x16xf32, #tpu.memory_space<vmem>>, vector<1024x1xf32>
    %add3A = arith.addf %get3A_1, %get3A_4 : vector<1024x1xf32>
    %add3A_5 = arith.constant 1.000000e+00 : f32
    %add3A_6 = vector.broadcast %add3A_5 : f32 to vector<1024x1xf32>
    %add3A_7 = arith.addf %add3A, %add3A_6 : vector<1024x1xf32>
    %rsqrt3A = math.rsqrt %add3A_7 : vector<1024x1xf32>
    %get3A_8 = arith.constant 0 : index
    %get3A_9 = arith.constant 0 : index
    %get3A_10 = vector.load %arg1[%get3A_8, %get3A_9] : memref<1024x128xf32, #tpu.memory_space<vmem>>, vector<1024x128xf32>
    %get3A_11 = arith.constant 0 : index
    %get3A_12 = arith.constant 0 : index
    %get3A_13 = vector.load %arg2[%get3A_11, %get3A_12] : memref<128x128xf32, #tpu.memory_space<vmem>>, vector<128x128xf32>
    %dot_general3A = arith.constant dense<0.000000e+00> : vector<1024x128xf32>
    %dot_general3A_14 = tpu.matmul %get3A_10, %get3A_13, %dot_general3A {dimension_numbers = #tpu.dot_dimension_numbers<[1], [1], [0], [0], [0, 0, 1, 0], [], []>, transpose_lhs_hint = false} : vector<1024x128xf32>, vector<128x128xf32>, vector<1024x128xf32> -> vector<1024x128xf32>
    %get3A_15 = arith.constant 0 : index
    %get3A_16 = arith.constant 0 : index
    %get3A_17 = vector.load %arg3[%get3A_15, %get3A_16] : memref<1x128xf32, #tpu.memory_space<vmem>>, vector<1x128xf32>
    %add3A_18 = vector.broadcast %get3A_17 : vector<1x128xf32> to vector<1024x128xf32>
    %add3A_19 = arith.addf %dot_general3A_14, %add3A_18 : vector<1024x128xf32>
    %mul3A = vector.broadcast %rsqrt3A : vector<1024x1xf32> to vector<1024x128xf32>
    %mul3A_20 = arith.mulf %add3A_19, %mul3A : vector<1024x128xf32>
    %swap3A = arith.constant 0 : index
    %swap3A_21 = arith.constant 0 : index
    %swap3A_22 = vector.load %arg6[%swap3A, %swap3A_21] : memref<1024x128xf32, #tpu.memory_space<vmem>>, vector<1024x128xf32>
    tpu.vector_store %arg6[%swap3A, %swap3A_21], %mul3A_20 {strides = array<i32>} : memref<1024x128xf32, #tpu.memory_space<vmem>>, vector<1024x128xf32>,
    return
  }
  func.func @transform_0(%arg0: i32) -> (i32, i32) {
    %c0_i32 = arith.constant 0 : i32
    %c0_i32_0 = arith.constant 0 : i32
    return %arg0, %c0_i32 : i32, i32
  }
  func.func @transform_1(%arg0: i32) -> (i32, i32) {
    %c0_i32 = arith.constant 0 : i32
    %c0_i32_0 = arith.constant 0 : i32
    %c0_i32_1 = arith.constant 0 : i32
    return %c0_i32, %c0_i32_0 : i32, i32
  }
  func.func @transform_2(%arg0: i32) -> (i32, i32) {
    %c0_i32 = arith.constant 0 : i32
    %c0_i32_0 = arith.constant 0 : i32
    %c0_i32_1 = arith.constant 0 : i32
    return %c0_i32, %c0_i32_0 : i32, i32
  }
  func.func @transform_3(%arg0: i32) -> (i32, i32) {
    %c0_i32 = arith.constant 0 : i32
    %c0_i32_0 = arith.constant 0 : i32
    return %arg0, %c0_i32 : i32, i32
  }
  func.func @transform_4(%arg0: i32) -> (i32, i32) {
    %add3A = arith.constant 10 : i32
    %add3A_0 = arith.addi %add3A, %arg0 : i32
    %c0_i32 = arith.constant 0 : i32
    %c0_i32_1 = arith.constant 0 : i32
    return %add3A_0, %c0_i32 : i32, i32
  }
  func.func @transform_5(%arg0: i32) -> (i32, i32) {
    %c0_i32 = arith.constant 0 : i32
    %c0_i32_0 = arith.constant 0 : i32
    return %arg0, %c0_i32 : i32, i32
  }
}

module attributes {stable_mosaic.version = 14 : i64} {
  func.func @_out_body(%arg0: i32, %arg1: memref<1024x128xf32, #tpu.memory_space<vmem>>, %arg2: memref<1024x128xf32, #tpu.memory_space<vmem>>, %arg3: memref<1024x128xf32, #tpu.memory_space<vmem>>, %arg4: memref<1024x16xf32, #tpu.memory_space<vmem>>, %arg5: memref<1024x16xf32, #tpu.memory_space<vmem>>, %arg6: memref<1024x128xf32, #tpu.memory_space<vmem>>) attributes {dimension_semantics = [#tpu.dimension_semantics<arbitrary>], iteration_bounds = array<i64: 10>, scalar_prefetch = 0 : i64, scratch_operands = 0 : i64, tpu.core_type = #tpu.core_type<tc>, window_params = [{transform_indices = @transform_0, window_bounds = array<i64: 1024, 128>}, {transform_indices = @transform_1, window_bounds = array<i64: 1024, 128>}, {transform_indices = @transform_2, window_bounds = array<i64: 1024, 128>}, {transform_indices = @transform_3, window_bounds = array<i64: 1024, 16>}, {transform_indices = @transform_4, window_bounds = array<i64: 1024, 16>}, {transform_indices = @transform_5, window_bounds = array<i64: 1024, 128>}]} {
    %get3A = arith.constant 0 : index
    %get3A_0 = arith.constant 0 : index
    %get3A_1 = vector.load %arg4[%get3A, %get3A_0] : memref<1024x16xf32, #tpu.memory_space<vmem>>, vector<1024x1xf32>
    %get3A_2 = arith.constant 0 : index
    %get3A_3 = arith.constant 0 : index
    %get3A_4 = vector.load %arg5[%get3A_2, %get3A_3] : memref<1024x16xf32, #tpu.memory_space<vmem>>, vector<1024x1xf32>
    %add3A = arith.addf %get3A_1, %get3A_4 : vector<1024x1xf32>
    %add3A_5 = arith.constant 1.000000e+00 : f32
    %add3A_6 = vector.broadcast %add3A_5 : f32 to vector<1024x1xf32>
    %add3A_7 = arith.addf %add3A, %add3A_6 : vector<1024x1xf32>
    %rsqrt3A = math.rsqrt %add3A_7 : vector<1024x1xf32>
    %get3A_8 = arith.constant 0 : index
    %get3A_9 = arith.constant 0 : index
    %get3A_10 = vector.load %arg1[%get3A_8, %get3A_9] : memref<1024x128xf32, #tpu.memory_space<vmem>>, vector<1024x128xf32>
    %get3A_11 = arith.constant 0 : index
    %get3A_12 = arith.constant 0 : index
    %get3A_13 = vector.load %arg2[%get3A_11, %get3A_12] : memref<1024x128xf32, #tpu.memory_space<vmem>>, vector<1024x128xf32>
    %add3A_14 = arith.addf %get3A_10, %get3A_13 : vector<1024x128xf32>
    %get3A_15 = arith.constant 0 : index
    %get3A_16 = arith.constant 0 : index
    %get3A_17 = vector.load %arg3[%get3A_15, %get3A_16] : memref<1024x128xf32, #tpu.memory_space<vmem>>, vector<1024x128xf32>
    %add3A_18 = arith.addf %add3A_14, %get3A_17 : vector<1024x128xf32>
    %mul3A = arith.constant 1.000000e+00 : f32
    %mul3A_19 = vector.broadcast %mul3A : f32 to vector<1024x128xf32>
    %mul3A_20 = arith.mulf %mul3A_19, %add3A_18 : vector<1024x128xf32>
    %mul3A_21 = vector.broadcast %rsqrt3A : vector<1024x1xf32> to vector<1024x128xf32>
    %mul3A_22 = arith.mulf %mul3A_20, %mul3A_21 : vector<1024x128xf32>
    %max3A = arith.constant 0.000000e+00 : f32
    %max3A_23 = vector.broadcast %max3A : f32 to vector<1024x128xf32>
    %max3A_24 = arith.maximumf %mul3A_22, %max3A_23 : vector<1024x128xf32>
    %mul3A_25 = arith.constant 1.250000e-01 : f32
    %mul3A_26 = vector.broadcast %mul3A_25 : f32 to vector<1024x128xf32>
    %mul3A_27 = arith.mulf %mul3A_26, %max3A_24 : vector<1024x128xf32>
    %swap3A = arith.constant 0 : index
    %swap3A_28 = arith.constant 0 : index
    %swap3A_29 = vector.load %arg6[%swap3A, %swap3A_28] : memref<1024x128xf32, #tpu.memory_space<vmem>>, vector<1024x128xf32>
    tpu.vector_store %arg6[%swap3A, %swap3A_28], %mul3A_27 {strides = array<i32>} : memref<1024x128xf32, #tpu.memory_space<vmem>>, vector<1024x128xf32>,
    return
  }
  func.func @transform_0(%arg0: i32) -> (i32, i32) {
    %c0_i32 = arith.constant 0 : i32
    %c0_i32_0 = arith.constant 0 : i32
    return %arg0, %c0_i32 : i32, i32
  }
  func.func @transform_1(%arg0: i32) -> (i32, i32) {
    %add3A = arith.constant 10 : i32
    %add3A_0 = arith.addi %add3A, %arg0 : i32
    %c0_i32 = arith.constant 0 : i32
    %c0_i32_1 = arith.constant 0 : i32
    return %add3A_0, %c0_i32 : i32, i32
  }
  func.func @transform_2(%arg0: i32) -> (i32, i32) {
    %c0_i32 = arith.constant 0 : i32
    %c0_i32_0 = arith.constant 0 : i32
    return %arg0, %c0_i32 : i32, i32
  }
  func.func @transform_3(%arg0: i32) -> (i32, i32) {
    %c0_i32 = arith.constant 0 : i32
    %c0_i32_0 = arith.constant 0 : i32
    return %arg0, %c0_i32 : i32, i32
  }
  func.func @transform_4(%arg0: i32) -> (i32, i32) {
    %add3A = arith.constant 10 : i32
    %add3A_0 = arith.addi %add3A, %arg0 : i32
    %c0_i32 = arith.constant 0 : i32
    %c0_i32_1 = arith.constant 0 : i32
    return %add3A_0, %c0_i32 : i32, i32
  }
  func.func @transform_5(%arg0: i32) -> (i32, i32) {
    %c0_i32 = arith.constant 0 : i32
    %c0_i32_0 = arith.constant 0 : i32
    return %arg0, %c0_i32 : i32, i32
  }
}

</mosaic_0001>

<sc_bundles>
// kernel: kernel.6.cloned.1.call-start
scs
__scs_entry_jumppad:
0x0: {  	(pc) =	sbr.rel $0x88, $3  }
0x1: {  	(tag) =	ssettag $0x0;
	lr =	simm.s32 $0x1  }
0x2: {  	[smem:$0x3F9D] =	sst lr;
	_ =	strace $0xD0000000  }
0x3: {  	_ = 	snop  }
0x4: {  	_ = 	snop  }
0x5: {  	_ = 	snop  }
0x6: {  	_ = 	snop  }
0x7: {  	_ = 	snop  }
__scs_overlays_trampoline_lowered:
0x8: {  	[smem:$0x3FAC] =	sst s0  }
0x9: {  	[smem:$0x3FAD] =	sst s1  }
0xa: {  	[smem:$0x3FAE] =	sst s2  }
0xb: {  	[smem:$0x3FAF] =	sst s3  }
0xc: {  	[smem:$0x3FB0] =	sst s4  }
0xd: {  	[smem:$0x3FB1] =	sst s5  }
0xe: {  	[smem:$0x3FB2] =	sst s6  }
0xf: {  	[smem:$0x3FB3] =	sst s7  }
0x10: {  	[smem:$0x3FB4] =	sst s8  }
0x11: {  	[smem:$0x3FB5] =	sst s9;
	s0 =	simm.s32 @!p0 $0x0  }
0x12: {  	s1 =	sld [smem:$0x3F9B];
	s0 =	simm.s32 @p0 $0x1  }
0x13: {  	[smem:$0x3FB6] =	sst s0;
	s0 =	simm.s32 @!p1 $0x0  }
0x14: {  	s2 =	sld [smem:$0x3F9A];
	s0 =	simm.s32 @p1 $0x1  }
0x15: {  	[smem:$0x3FB7] =	sst s0;
	s0 =	simm.s32 @!p2 $0x0  }
0x16: {  	s3 =	sld [smem:$0x3FDB];
	s0 =	simm.s32 @p2 $0x1  }
0x17: {  	s4 =	simm.s32 $0x1BF5;
	[smem:$0x3FB9] =	sst s0  }
0x18: {  	s0 =	sld [smem:$0x3F9C];
	_ =	swait.ge [sflag:s4], $0x0  }
0x19: {  	s7 =	sld [smem:$0x3F9D]  }
0x1a: {  	s8 =	sadd.s32 $0xFFFFE003, lr  }
0x1b: {  	s9 =	sadd.s32 $0xFFFFFEF7, lr;
	s5 =	simm.s32 $0xFFFFFFFF;
	p2 =	slt.u32 s8, $0xFFFFF086  }
0x1c: {  	p1 =	slt.u32 s9, $0xF7A;
	s5 =	simm.s32 @!p2 $0x0  }
0x1d: {  	s5 =	simm.s32 @p1 $0x1;
	p0 =	seq.s32 s7, s2  }
0x1e: {  	s7 =	smul.u32 @!p0 $0xF7A, s2;
	p2 =	seq.s32 @!p0 s5, $0x0  }
0x1f: {  	s9 =	smul.u32 $0xF7A, s1;
	s8 =	simm.s32 @!p0 $0x1BF5;
	p2 =	por !p2, p0  }
0x20: {  	[sflag:s8] =	ssyncset.s32 @!p0 $0xFFFFF086;
	s6 =	sadd.s32 @!p0 s3, s7;
	s7 =	simm.s32 @!p0 $0x108  }
0x21: {  	s3 =	sadd.s32 s3, s9;
	s6 =	sadd.s32 @!p0 $0x88, s6;
	s7 =	simm.s32 @p2 $0x1082  }
0x22: {  	[simem:s7], [sflag:s8] =	dma.local @!p0 [hbm:s6], $0xF7A  }
0x23: {  	s9 =	sor.u32 $0xD0000000, s2;
	s6 =	simm.s32 $0x108;
	_ =	swait.ge @!p0 [sflag:s8], $0x0  }
0x24: {  	s3 =	sadd.s32 $0x88, s3;
	s6 =	simm.s32 @!p1 $0x1082;
	[sflag:s4] =	ssyncset.s32 $0xFFFFF086  }
0x25: {  	[simem:s6], [sflag:s4] =	dma.local [hbm:s3], $0xF7A  }
0x26: {  	[smem:$0x3F9D] =	sst s1;
	(tag) =	ssettag s2;
	_ =	strace s9  }
0x27: {  	s1 =	sld [smem:$0x3FAD]  }
0x28: {  	s2 =	sld [smem:$0x3FAE]  }
0x29: {  	s4 =	sld [smem:$0x3FB0]  }
0x2a: {  	p0 =	seq.s32 s5, $0x0;
	s5 =	sld [smem:$0x3FB1]  }
0x2b: {  	s6 =	sld [smem:$0x3FB2]  }
0x2c: {  	s7 =	sld [smem:$0x3FB3]  }
0x2d: {  	s3 =	simm.s32 $0x108;
	s8 =	sld [smem:$0x3FB4]  }
0x2e: {  	s3 =	simm.s32 @!p0 $0x1082;
	s9 =	sld [smem:$0x3FB5]  }
0x2f: {  	lr =	sadd.s32 s0, s3;
	s0 =	sld [smem:$0x3FAC]  }
0x30: {  	s3 =	sld [smem:$0x3FAF]  }
0x31: {  	[smem:$0x3FB8] =	sst s10  }
0x32: {  	s10 =	sld [smem:$0x3FB6];
	_ =	sdelay $0x3  }
0x33: {  	p0 =	seq.s32 s10, $0x1;
	s10 =	sld [smem:$0x3FB8];
	_ =	sdelay $0x3  }
0x34: {  	[smem:$0x3FB8] =	sst s10  }
0x35: {  	s10 =	sld [smem:$0x3FB7];
	_ =	sdelay $0x3  }
0x36: {  	p1 =	seq.s32 s10, $0x1;
	s10 =	sld [smem:$0x3FB8];
	_ =	sdelay $0x3  }
0x37: {  	[smem:$0x3FB8] =	sst s10  }
0x38: {  	s10 =	sld [smem:$0x3FB9]  }
0x39: {  	_ = 	snop;
	(pc) =	sbr.ind lr, $3  }
0x3a: {  	_ = 	snop  }
0x3b: {  	_ = 	snop  }
0x3c: {  	p2 =	seq.s32 s10, $0x1;
	s10 =	sld [smem:$0x3FB8]  }
0x3d: {  	_ =	shalt  }
0x3e: {  	_ =	shalt  }
0x3f: {  	_ =	shalt  }
0x40: {  	_ =	shalt  }
0x41: {  	_ =	shalt  }
0x42: {  	_ =	shalt  }
0x43: {  	_ =	shalt  }
0x44: {  	_ =	shalt  }
0x45: {  	_ =	shalt  }
0x46: {  	_ =	shalt  }
0x47: {  	_ =	shalt  }
0x48: {  	_ =	shalt  }
0x49: {  	_ =	shalt  }
0x4a: {  	_ =	shalt  }
0x4b: {  	_ =	shalt  }
0x4c: {  	_ =	shalt  }
0x4d: {  	_ =	shalt  }
0x4e: {  	_ =	shalt  }
0x4f: {  	_ =	shalt  }
0x50: {  	_ =	shalt  }
0x51: {  	_ =	shalt  }
0x52: {  	_ =	shalt  }
0x53: {  	_ =	shalt  }
0x54: {  	_ =	shalt  }
0x55: {  	_ =	shalt  }
0x56: {  	_ =	shalt  }
0x57: {  	_ =	shalt  }
0x58: {  	_ =	shalt  }
0x59: {  	_ =	shalt  }
0x5a: {  	_ =	shalt  }
0x5b: {  	_ =	shalt  }
0x5c: {  	_ =	shalt  }
0x5d: {  	_ =	shalt  }
0x5e: {  	_ =	shalt  }
0x5f: {  	_ =	shalt  }
0x60: {  	_ =	shalt  }
0x61: {  	_ =	shalt  }
0x62: {  	_ =	shalt  }
0x63: {  	_ =	shalt  }
0x64: {  	_ =	shalt  }
0x65: {  	_ =	shalt  }
0x66: {  	_ =	shalt  }
0x67: {  	_ =	shalt  }
0x68: {  	_ =	shalt  }
0x69: {  	_ =	shalt  }
0x6a: {  	_ =	shalt  }
0x6b: {  	_ =	shalt  }
0x6c: {  	_ =	shalt  }
0x6d: {  	_ =	shalt  }
0x6e: {  	_ =	shalt  }
0x6f: {  	_ =	shalt  }
0x70: {  	_ =	shalt  }
0x71: {  	_ =	shalt  }
0x72: {  	_ =	shalt  }
0x73: {  	_ =	shalt  }
0x74: {  	_ =	shalt  }
0x75: {  	_ =	shalt  }
0x76: {  	_ =	shalt  }
0x77: {  	_ =	shalt  }
0x78: {  	_ =	shalt  }
0x79: {  	_ =	shalt  }
0x7a: {  	_ =	shalt  }
0x7b: {  	_ =	shalt  }
0x7c: {  	_ =	shalt  }
0x7d: {  	_ =	shalt  }
0x7e: {  	_ =	shalt  }
0x7f: {  	_ =	shalt  }
0x80: {  	_ =	shalt  }
0x81: {  	_ =	shalt  }
0x82: {  	_ =	shalt  }
0x83: {  	_ =	shalt  }
0x84: {  	_ =	shalt  }
0x85: {  	_ =	shalt  }
0x86: {  	_ =	shalt  }
0x87: {  	_ =	shalt  }
.Lfunc_end0:
.L_simem_size_0:
called_computation_lowered:
.L_overlay_start_0:
0x88: {  	s2 =	sld [smem:$0x3FD9]  }
0x89: {  	s3 =	sld [smem:$0x3FFE];
	_ =	sdelay $0x1  }
0x8a: {  	s1 =	srdreg.scid  }
0x8b: {  	s0 =	sand.u32 $0x1, s1  }
0x8c: {  	s16 =	sshll.u32 s0, $0xA;
	s2 =	sadd.s32 s3, s2  }
0x8d: {  	s2 =	sadd.s32 s2, s16  }
0x8e: {  	[smem:$0x3FC4] =	sst s2  }
0x8f: {  	_ = 	snop  }
0x90: {  	(tm) =	ssettm $0x1  }
0x91: {  	s17 =	sld [smem:$0x3FFB];
	_ =	sdelay $0x3  }
0x92: {  	_ =	strace s17  }
0x93: {  	s2 =	sld [smem:$0x3FFC];
	_ =	sdelay $0x3  }
0x94: {  	_ =	strace s2  }
0x95: {  	s2 =	sld [smem:$0x3FFD];
	_ =	sdelay $0x3  }
0x96: {  	_ =	strace s2  }
0x97: {  	_ =	strace $0x8FFFFFFF  }
0x98: {  	s18 =	sld [smem:$0x3FDB];
	_ =	sdelay $0x1  }
0x99: {  	s19 =	simm.s32 $_scs_section_size  }
0x9a: {  	s4 =	simm.s32 $_size__tile_overlayer_lowered;
	s5 =	simm.s32 $_tile_overlayer_lowered  }
0x9b: {  	s22 =	simm.s32 $0x1BFF;
	s21 =	sshll.u32 s5, $0x1;
	s2 =	sadd.s32 s19, s18  }
0x9c: {  	s6 =	simm.s32 $0x0;
	s20 =	sshll.u32 s4, $0x1;
	s4 =	sadd.s32 s21, s2  }
0x9d: {  	[timem:s6], [sflag:s22] =	dma.local [hbm:s4], s20  }
0x9e: {  	_ =	swait.ge [sflag:s22], s20  }
0x9f: {  	s3 =	ssub.s32 $0x0, s20;
	[sflag:s22] =	ssyncset.done $0x0  }
0xa0: {  	[sflag:s22] =	ssyncadd.s32 s3;
	_ =	sdelay $0x1  }
0xa1: {  	s23 =	simm.s32 $0x1B8B  }
0xa2: {  	_ =	swait.ge [sflag:s23], $0x1  }
0xa3: {  	[sflag:s23] =	ssyncset.done $0x0  }
0xa4: {  	s25 =	simm.s32 $0x1B8E;
	s24 =	sld [smem:$0x3FFE];
	[sflag:s23] =	ssyncadd.s32 $0xFFFFFFFF  }
0xa5: {  	s26 =	simm.s32 $execute0_lowered;
	[smem:$0x3FD2] =	sst s25  }
0xa6: {  	s4 =	sshll.u32 s26, $0x1;
	_ =	strace $0x80000046;
	[dreg:$0x1] =	wrdreg $0xFFFFFFFF  }
0xa7: {  	s28 =	simm.s32 $_size_execute0_lowered;
	s2 =	sadd.s32 s2, s4;
	[dreg:$0x0] =	wrdreg $0x0  }
0xa8: {  	s4 =	sshll.u32 s28, $0x1;
	[dreg:$0x2] =	wrdreg s2  }
0xa9: {  	[dreg:$0x3] =	wrdreg s4  }
0xaa: {  	[dreg:$0x4] =	wrdreg $0xC0  }
0xab: {  	_ =	task [dreg:s6], $0x5FFFF  }
0xac: {  	[dreg:$0x1] =	wrdreg $0xFFFFFFFF  }
0xad: {  	[dreg:$0x0] =	wrdreg $0x60  }
0xae: {  	[dreg:$0x2] =	wrdreg s24  }
0xaf: {  	[dreg:$0x3] =	wrdreg $0x80800  }
0xb0: {  	[dreg:$0x4] =	wrdreg $0x9  }
0xb1: {  	_ =	task.clear_ibuf [dreg:s6], $0x5FFFF;
	_ =	strace $0x90000046  }
0xb2: {  	s29 =	simm.s32 $0x9;
	_ =	strace $0x80000048  }
0xb3: {  	_ =	swait.ge [sflag:s29], $0x1  }
0xb4: {  	[sflag:s29] =	ssyncadd.s32 $0xFFFFFFFF  }
0xb5: {  	_ =	strace $0x90000048  }
0xb6: {  	_ =	sfence  }
0xb7: {  	s30 =	sld [smem:$0x0];
	_ =	sdelay $0x2  }
0xb8: {  	s31 =	sshll.u32 s1, $0xD;
	s1 =	sshrl.u32 s1, $0x2  }
0xb9: {  	s3 =	sand.u32 $0x4000, s31;
	s1 =	sadd.s32 s1, s30  }
0xba: {  	s0 =	sor.u32 s3, s0;
	s1 =	sshll.u32 s1, $0x11  }
0xbb: {  	s0 =	sor.u32 s1, s0  }
0xbc: {  	s0 =	sadd.s32 $0x8F2B, s0  }
0xbd: {  	[sflag:s0] =	ssyncadd.remote.s32 $0x1  }
0xbe: {  	_ =	sfence.sel $0xFFFF  }
0xbf: {  	[dreg:$0x0] =	wrdreg $0xFFFFFFFF;
	(pc) =	sbr.abs _section_cstart, $3  }
0xc0: {  	[dreg:$0x1] =	wrdreg $0xFFFFFFFF  }
0xc1: {  	_ =	task.clear_ibuf [dreg:s6], $0x2FFFF;
	_ =	strace $0x9FFFFFFF  }
0xc2: {  	(tm) =	ssettm $0x7FFFFFFF  }
0xc3: {  	_ =	shalt  }
tec
execute0_lowered:
.L_overlay_start_1:
0x0: {  	(tag) =	ssettag $0x1  }
0x1: {  	s4 =	rddreg [dreg:$0x0];
	s0 =	srdreg.scid  }
0x2: {  	s1 =	rddreg [dreg:$0x1];
	s2 =	stileid.u32  }
0x3: {  	s3 =	simm.s32 $0x0;
	s12 =	simm.s32 $0x4080;
	s8 =	smul.u32 $0x2800, s2  }
0x4: {  	s13 =	simm.s32 $0x1;
	s14 =	simm.s32 $0x80;
	s9 =	smul.u32 $0x50000, s2  }
0x5: {  	s5 =	sand.u32 $0x1, s0;
	s0 =	rddreg [dreg:$0x2];
	s11 =	smul.u32 $0x4F0, s2  }
0x6: {  	s17 =	simm.s32 $0x0;
	[smem:$0x7FF] =	sst s3;
	s6 =	smul.u32 $0x4F00, s5  }
0x7: {  	s15 =	sshll.u32 s2, $0x6;
	s7 =	smul.u32 $0x28000, s5;
	s5 =	ssub.s32 $0x2, s5  }
0x8: {  	_ =	strace $0x80000047;
	s15 =	sor.u32 $0x1C01, s15;
	s29 =	sshrl.u32 s5, $0x1  }
0x9: {  	s30 =	sshrl.u32 s9, $0x2;
	s10 =	sadd.s32 s6, s4;
	s28 =	sadd.s32 s8, s7  }
0xa: {  	s31 =	ssub.s32 s5, s29;
	s6 =	sadd.s32 s28, s4;
	s4 =	sadd.s32 s30, s1  }
0xb: {  	s11 =	sadd.s32 s11, s10;
	s5 =	sadd.s32 $0xB400, s6;
	s6 =	smax.u32 s31, $0x1  }
0xc: {  	s7 =	sadd.s32 $0x4000, s4;
	s8 =	sadd.s32 $0x8000, s4;
	s9 =	sadd.s32 $0xC000, s4  }
0xd: {  	v0 =	vimm.f32 $1.000000000e+00;
	v1 =	vimm.f32 $0.0e+00;
	s10 =	sadd.s32 $0x10000, s4;
	s11 =	sadd.s32 $0x1600, s11;
	s16 =	sshrl.u32 s4, $0x3  }
.LBB2_1:
0xe: {  	s18 =	simm.s32 $0x200;
	s19 =	simm.s32 $0x0  }
.LBB2_2:
0xf: {  	p0 =	sne.s32 s18, $0xFE00;
	[tilespmem:s19+$0x80] =	vst v0;
	s20 =	smov.u32 s18;
	s18 =	sadd.s32 $0x200, s18  }
.Ltmp0:
0x10: {  	[tilespmem:s19+$0x4080] =	vst v1;
	(pc) =	sbr.rel @p0 .LBB2_2-.Ltmp0, $2  }
0x11: {  	_ =	sdelay $0x2  }
0x12: {  	s19 =	sshra.s32 s20, $0x2  }
0x13: {  	[tilespmem:s19+$0x80] =	vst v0  }
0x14: {  	[tilespmem:s19+$0x4080] =	vst v1  }
0x15: {  	[spmem:s4] =	stream.linear.scatter [tilespmem:s12], [sflag:$0x1], $0x4000, $0x38;
	[tilespmem:$0xA880] =	vst v63  }
0x16: {  	_ =	swait.ge [sflag:s13], $0x4000  }
0x17: {  	[sflag:s13] =	ssyncset.done $0x0  }
0x18: {  	[sflag:s13] =	ssyncadd.s32 $0xFFFFC000  }
0x19: {  	[spmem:s7] =	stream.linear.scatter [tilespmem:s12], [sflag:$0x1], $0x4000, $0x38;
	[tilespmem:$0xA880] =	vst v63  }
0x1a: {  	_ =	swait.ge [sflag:s13], $0x4000  }
0x1b: {  	[sflag:s13] =	ssyncset.done $0x0  }
0x1c: {  	[sflag:s13] =	ssyncadd.s32 $0xFFFFC000  }
0x1d: {  	[spmem:s8] =	stream.linear.scatter [tilespmem:s12], [sflag:$0x1], $0x4000, $0x38;
	[tilespmem:$0xA880] =	vst v63  }
0x1e: {  	_ =	swait.ge [sflag:s13], $0x4000  }
0x1f: {  	[sflag:s13] =	ssyncset.done $0x0  }
0x20: {  	[sflag:s13] =	ssyncadd.s32 $0xFFFFC000  }
0x21: {  	[spmem:s9] =	stream.linear.scatter [tilespmem:s12], [sflag:$0x1], $0x4000, $0x38;
	[tilespmem:$0xA880] =	vst v63  }
0x22: {  	_ =	swait.ge [sflag:s13], $0x4000  }
0x23: {  	[sflag:s13] =	ssyncset.done $0x0  }
0x24: {  	[sflag:s13] =	ssyncadd.s32 $0xFFFFC000  }
0x25: {  	[spmem:s10] =	stream.linear.scatter [tilespmem:s12], [sflag:$0x1], $0x4000, $0x38;
	[tilespmem:$0xA880] =	vst v63  }
0x26: {  	_ =	swait.ge [sflag:s13], $0x4000  }
0x27: {  	[sflag:s13] =	ssyncset.done $0x0  }
0x28: {  	[sflag:s13] =	ssyncadd.s32 $0xFFFFC000  }
0x29: {  	s18 =	sadd.s32 $0x0, s11;
	[bflag:$0x0] =	sbarrier.arrive $0xFFFF  }
0x2a: {  	[tilespmem:s3], [sflag:$0x1] =	stream.linear.gather [hbm4b:s18+s3], $0x80, $0x38;
	[tilespmem:$0xA880] =	vst v63  }
0x2b: {  	_ =	swait.ge [sflag:s13], $0x80  }
0x2c: {  	[sflag:s13] =	ssyncset.done $0x0  }
0x2d: {  	[sflag:s13] =	ssyncadd.s32 $0xFFFFFF80  }
0x2e: {  	[spmem:s1] =	stream.indirect.scatter.add.f32 [tilespmem:s14], [sflag:$0x1], $0x10, s3, s14, $0xb8;
	[tilespmem:$0xA880] =	vst v63  }
0x2f: {  	_ =	swait.ge [sflag:s13], $0x800  }
0x30: {  	s19 =	simm.s32 $0x20;
	s18 =	simm.s32 $0x10;
	[sflag:s13] =	ssyncset.done $0x0  }
.LBB2_4:
0x31: {  	s20 =	sadd.s32 s18, s11  }
0x32: {  	[sflag:s13] =	ssyncadd.s32 $0xFFFFF800;
	s18 =	smov.u32 s19;
	s21 =	sadd.s32 $0x10, s19  }
0x33: {  	[tilespmem:s3], [sflag:$0x1] =	stream.linear.gather [hbm4b:s20+s3], $0x80, $0x38;
	[tilespmem:$0xA880] =	vst v63  }
0x34: {  	p0 =	sne.s32 s19, $0x4E0;
	_ =	swait.ge [sflag:s13], $0x80  }
.Ltmp1:
0x35: {  	[sflag:s13] =	ssyncset.done $0x0;
	(pc) =	sbr.rel @p0 .LBB2_4-.Ltmp1, $4  }
0x36: {  	[sflag:s13] =	ssyncadd.s32 $0xFFFFFF80  }
0x37: {  	[spmem:s1] =	stream.indirect.scatter.add.f32 [tilespmem:s14], [sflag:$0x1], $0x10, s3, s14, $0xb8;
	[tilespmem:$0xA880] =	vst v63  }
0x38: {  	_ =	swait.ge [sflag:s13], $0x800  }
0x39: {  	s19 =	smov.u32 s21;
	[sflag:s13] =	ssyncset.done $0x0  }
0x3a: {  	s18 =	sadd.s32 s18, s11;
	[sflag:s13] =	ssyncadd.s32 $0xFFFFF800  }
0x3b: {  	[tilespmem:s3], [sflag:$0x1] =	stream.linear.gather [hbm4b:s18+s3], $0x80, $0x38;
	[tilespmem:$0xA880] =	vst v63  }
0x3c: {  	_ =	swait.ge [sflag:s13], $0x80  }
0x3d: {  	[sflag:s13] =	ssyncset.done $0x0  }
0x3e: {  	[sflag:s13] =	ssyncadd.s32 $0xFFFFFF80  }
0x3f: {  	[spmem:s1] =	stream.indirect.scatter.add.f32 [tilespmem:s14], [sflag:$0x1], $0x10, s3, s14, $0xb8;
	[tilespmem:$0xA880] =	vst v63  }
0x40: {  	_ =	swait.ge [sflag:s13], $0x800  }
0x41: {  	s17 =	sadd.s32 $0x1, s17;
	[sflag:s13] =	ssyncset.done $0x0  }
0x42: {  	p0 =	sne.s32 s17, s6;
	[sflag:s13] =	ssyncadd.s32 $0xFFFFF800  }
.Ltmp2:
0x43: {  	[bflag:$0x0] =	sbarrier.arrive $0xFFFF;
	(pc) =	sbr.rel @p0 .LBB2_1-.Ltmp2, $4  }
0x44: {  	[hbm:s5], [sflag:s15] =	dma.local [spmem:s16], $0x2800  }
0x45: {  	_ =	swait.ge [sflag:s13], $0x2800  }
0x46: {  	[sflag:s13] =	ssyncset.done $0x0  }
0x47: {  	[sflag:s13] =	ssyncadd.s32 $0xFFFFD800  }
0x48: {  	_ =	sfence.sel $0x180000  }
0x49: {  	[bflag:$0x0] =	sbarrier.arrive $0xFFFF  }
0x4a: {  	p0 =	sne.s32 s2, $0x0;
	_ =	strace $0x90000047  }
0x4b: {  	s0 =	sadd.s32 @!p0 $0x100000, s0;
	[bflag:$0x2] =	sbarrier.arrive $0xFFFF  }
0x4c: {  	[sflag:s0] =	ssyncadd.tile.s32 @!p0 $0x1;
	_ =	shalt  }
.Lfunc_end2:
_tile_overlayer_lowered:
.L_overlay_start_2:
0x4d: {  	(tag) =	ssettag $0x2  }
0x4e: {  	s0 =	rddreg [dreg:$0x0];
	s2 =	stileid.u32  }
0x4f: {  	s1 =	rddreg [dreg:$0x1];
	p0 =	sne.s32 s2, $0x0  }
0x50: {  	s3 =	rddreg [dreg:$0x2];
	[bflag:$0x3] =	sbarrier.arrive $0xFFFF;
	s2 =	simm.s32 @!p0 $0x1C01  }
0x51: {  	[timem:s3], [sflag:s2] =	dma.local @!p0 [hbm:s0], s1  }
0x52: {  	s0 =	simm.s32 @!p0 $0x1  }
0x53: {  	_ =	swait.ge @!p0 [sflag:s0], s1  }
0x54: {  	s1 =	ssub.s32 @!p0 $0x0, s1;
	[sflag:s0] =	ssyncset.done @!p0 $0x0  }
0x55: {  	[sflag:s0] =	ssyncadd.s32 @!p0 s1  }
0x56: {  	[bflag:$0x3] =	sbarrier.arrive $0xFFFF  }
0x57: {  	_ =	shalt  }

// kernel: kernel.9.cloned.1.call-start
scs
__scs_entry_jumppad:
0x0: {  	(pc) =	sbr.rel $0x88, $3  }
0x1: {  	(tag) =	ssettag $0x0;
	lr =	simm.s32 $0x1  }
0x2: {  	[smem:$0x3F9D] =	sst lr;
	_ =	strace $0xD0000000  }
0x3: {  	_ = 	snop  }
0x4: {  	_ = 	snop  }
0x5: {  	_ = 	snop  }
0x6: {  	_ = 	snop  }
0x7: {  	_ = 	snop  }
__scs_overlays_trampoline_lowered:
0x8: {  	[smem:$0x3FAC] =	sst s0  }
0x9: {  	[smem:$0x3FAD] =	sst s1  }
0xa: {  	[smem:$0x3FAE] =	sst s2  }
0xb: {  	[smem:$0x3FAF] =	sst s3  }
0xc: {  	[smem:$0x3FB0] =	sst s4  }
0xd: {  	[smem:$0x3FB1] =	sst s5  }
0xe: {  	[smem:$0x3FB2] =	sst s6  }
0xf: {  	[smem:$0x3FB3] =	sst s7  }
0x10: {  	[smem:$0x3FB4] =	sst s8  }
0x11: {  	[smem:$0x3FB5] =	sst s9;
	s0 =	simm.s32 @!p0 $0x0  }
0x12: {  	s1 =	sld [smem:$0x3F9B];
	s0 =	simm.s32 @p0 $0x1  }
0x13: {  	[smem:$0x3FB6] =	sst s0;
	s0 =	simm.s32 @!p1 $0x0  }
0x14: {  	s2 =	sld [smem:$0x3F9A];
	s0 =	simm.s32 @p1 $0x1  }
0x15: {  	[smem:$0x3FB7] =	sst s0;
	s0 =	simm.s32 @!p2 $0x0  }
0x16: {  	s3 =	sld [smem:$0x3FDB];
	s0 =	simm.s32 @p2 $0x1  }
0x17: {  	s4 =	simm.s32 $0x1BF5;
	[smem:$0x3FB9] =	sst s0  }
0x18: {  	s0 =	sld [smem:$0x3F9C];
	_ =	swait.ge [sflag:s4], $0x0  }
0x19: {  	s7 =	sld [smem:$0x3F9D]  }
0x1a: {  	s8 =	sadd.s32 $0xFFFFE003, lr  }
0x1b: {  	s9 =	sadd.s32 $0xFFFFFEF7, lr;
	s5 =	simm.s32 $0xFFFFFFFF;
	p2 =	slt.u32 s8, $0xFFFFF086  }
0x1c: {  	p1 =	slt.u32 s9, $0xF7A;
	s5 =	simm.s32 @!p2 $0x0  }
0x1d: {  	s5 =	simm.s32 @p1 $0x1;
	p0 =	seq.s32 s7, s2  }
0x1e: {  	s7 =	smul.u32 @!p0 $0xF7A, s2;
	p2 =	seq.s32 @!p0 s5, $0x0  }
0x1f: {  	s9 =	smul.u32 $0xF7A, s1;
	s8 =	simm.s32 @!p0 $0x1BF5;
	p2 =	por !p2, p0  }
0x20: {  	[sflag:s8] =	ssyncset.s32 @!p0 $0xFFFFF086;
	s6 =	sadd.s32 @!p0 s3, s7;
	s7 =	simm.s32 @!p0 $0x108  }
0x21: {  	s3 =	sadd.s32 s3, s9;
	s6 =	sadd.s32 @!p0 $0x88, s6;
	s7 =	simm.s32 @p2 $0x1082  }
0x22: {  	[simem:s7], [sflag:s8] =	dma.local @!p0 [hbm:s6], $0xF7A  }
0x23: {  	s9 =	sor.u32 $0xD0000000, s2;
	s6 =	simm.s32 $0x108;
	_ =	swait.ge @!p0 [sflag:s8], $0x0  }
0x24: {  	s3 =	sadd.s32 $0x88, s3;
	s6 =	simm.s32 @!p1 $0x1082;
	[sflag:s4] =	ssyncset.s32 $0xFFFFF086  }
0x25: {  	[simem:s6], [sflag:s4] =	dma.local [hbm:s3], $0xF7A  }
0x26: {  	[smem:$0x3F9D] =	sst s1;
	(tag) =	ssettag s2;
	_ =	strace s9  }
0x27: {  	s1 =	sld [smem:$0x3FAD]  }
0x28: {  	s2 =	sld [smem:$0x3FAE]  }
0x29: {  	s4 =	sld [smem:$0x3FB0]  }
0x2a: {  	p0 =	seq.s32 s5, $0x0;
	s5 =	sld [smem:$0x3FB1]  }
0x2b: {  	s6 =	sld [smem:$0x3FB2]  }
0x2c: {  	s7 =	sld [smem:$0x3FB3]  }
0x2d: {  	s3 =	simm.s32 $0x108;
	s8 =	sld [smem:$0x3FB4]  }
0x2e: {  	s3 =	simm.s32 @!p0 $0x1082;
	s9 =	sld [smem:$0x3FB5]  }
0x2f: {  	lr =	sadd.s32 s0, s3;
	s0 =	sld [smem:$0x3FAC]  }
0x30: {  	s3 =	sld [smem:$0x3FAF]  }
0x31: {  	[smem:$0x3FB8] =	sst s10  }
0x32: {  	s10 =	sld [smem:$0x3FB6];
	_ =	sdelay $0x3  }
0x33: {  	p0 =	seq.s32 s10, $0x1;
	s10 =	sld [smem:$0x3FB8];
	_ =	sdelay $0x3  }
0x34: {  	[smem:$0x3FB8] =	sst s10  }
0x35: {  	s10 =	sld [smem:$0x3FB7];
	_ =	sdelay $0x3  }
0x36: {  	p1 =	seq.s32 s10, $0x1;
	s10 =	sld [smem:$0x3FB8];
	_ =	sdelay $0x3  }
0x37: {  	[smem:$0x3FB8] =	sst s10  }
0x38: {  	s10 =	sld [smem:$0x3FB9]  }
0x39: {  	_ = 	snop;
	(pc) =	sbr.ind lr, $3  }
0x3a: {  	_ = 	snop  }
0x3b: {  	_ = 	snop  }
0x3c: {  	p2 =	seq.s32 s10, $0x1;
	s10 =	sld [smem:$0x3FB8]  }
0x3d: {  	_ =	shalt  }
0x3e: {  	_ =	shalt  }
0x3f: {  	_ =	shalt  }
0x40: {  	_ =	shalt  }
0x41: {  	_ =	shalt  }
0x42: {  	_ =	shalt  }
0x43: {  	_ =	shalt  }
0x44: {  	_ =	shalt  }
0x45: {  	_ =	shalt  }
0x46: {  	_ =	shalt  }
0x47: {  	_ =	shalt  }
0x48: {  	_ =	shalt  }
0x49: {  	_ =	shalt  }
0x4a: {  	_ =	shalt  }
0x4b: {  	_ =	shalt  }
0x4c: {  	_ =	shalt  }
0x4d: {  	_ =	shalt  }
0x4e: {  	_ =	shalt  }
0x4f: {  	_ =	shalt  }
0x50: {  	_ =	shalt  }
0x51: {  	_ =	shalt  }
0x52: {  	_ =	shalt  }
0x53: {  	_ =	shalt  }
0x54: {  	_ =	shalt  }
0x55: {  	_ =	shalt  }
0x56: {  	_ =	shalt  }
0x57: {  	_ =	shalt  }
0x58: {  	_ =	shalt  }
0x59: {  	_ =	shalt  }
0x5a: {  	_ =	shalt  }
0x5b: {  	_ =	shalt  }
0x5c: {  	_ =	shalt  }
0x5d: {  	_ =	shalt  }
0x5e: {  	_ =	shalt  }
0x5f: {  	_ =	shalt  }
0x60: {  	_ =	shalt  }
0x61: {  	_ =	shalt  }
0x62: {  	_ =	shalt  }
0x63: {  	_ =	shalt  }
0x64: {  	_ =	shalt  }
0x65: {  	_ =	shalt  }
0x66: {  	_ =	shalt  }
0x67: {  	_ =	shalt  }
0x68: {  	_ =	shalt  }
0x69: {  	_ =	shalt  }
0x6a: {  	_ =	shalt  }
0x6b: {  	_ =	shalt  }
0x6c: {  	_ =	shalt  }
0x6d: {  	_ =	shalt  }
0x6e: {  	_ =	shalt  }
0x6f: {  	_ =	shalt  }
0x70: {  	_ =	shalt  }
0x71: {  	_ =	shalt  }
0x72: {  	_ =	shalt  }
0x73: {  	_ =	shalt  }
0x74: {  	_ =	shalt  }
0x75: {  	_ =	shalt  }
0x76: {  	_ =	shalt  }
0x77: {  	_ =	shalt  }
0x78: {  	_ =	shalt  }
0x79: {  	_ =	shalt  }
0x7a: {  	_ =	shalt  }
0x7b: {  	_ =	shalt  }
0x7c: {  	_ =	shalt  }
0x7d: {  	_ =	shalt  }
0x7e: {  	_ =	shalt  }
0x7f: {  	_ =	shalt  }
0x80: {  	_ =	shalt  }
0x81: {  	_ =	shalt  }
0x82: {  	_ =	shalt  }
0x83: {  	_ =	shalt  }
0x84: {  	_ =	shalt  }
0x85: {  	_ =	shalt  }
0x86: {  	_ =	shalt  }
0x87: {  	_ =	shalt  }
.Lfunc_end0:
.L_simem_size_0:
called_computation.1_lowered:
.L_overlay_start_0:
0x88: {  	s2 =	sld [smem:$0x3FD9]  }
0x89: {  	s3 =	sld [smem:$0x3FFE];
	_ =	sdelay $0x1  }
0x8a: {  	s1 =	srdreg.scid  }
0x8b: {  	s0 =	sand.u32 $0x1, s1  }
0x8c: {  	s17 =	sshll.u32 s0, $0xA;
	s2 =	sadd.s32 s3, s2  }
0x8d: {  	s2 =	sadd.s32 s2, s17  }
0x8e: {  	[smem:$0x3FC4] =	sst s2  }
0x8f: {  	_ = 	snop  }
0x90: {  	s2 =	sld [smem:$0x3FD0];
	(tm) =	ssettm $0x1  }
0x91: {  	s18 =	sld [smem:$0x3FFB];
	_ =	sdelay $0x3  }
0x92: {  	_ =	strace s18  }
0x93: {  	s3 =	sld [smem:$0x3FFC];
	_ =	sdelay $0x3  }
0x94: {  	_ =	strace s3  }
0x95: {  	s3 =	sld [smem:$0x3FFD];
	_ =	sdelay $0x3  }
0x96: {  	_ =	strace s3  }
0x97: {  	_ =	strace $0x8FFFFFFF  }
0x98: {  	s19 =	sld [smem:$0x3FDB];
	_ =	sdelay $0x1  }
0x99: {  	s4 =	simm.s32 $_scs_section_size  }
0x9a: {  	s5 =	simm.s32 $_size__tile_overlayer_lowered;
	s6 =	simm.s32 $_tile_overlayer_lowered  }
0x9b: {  	s22 =	simm.s32 $0x1BFF;
	s21 =	sshll.u32 s6, $0x1;
	s3 =	sadd.s32 s4, s19  }
0x9c: {  	s7 =	simm.s32 $0x0;
	s20 =	sshll.u32 s5, $0x1;
	s5 =	sadd.s32 s21, s3  }
0x9d: {  	[timem:s7], [sflag:s22] =	dma.local [hbm:s5], s20  }
0x9e: {  	_ =	swait.ge [sflag:s22], s20  }
0x9f: {  	s4 =	ssub.s32 $0x0, s20;
	[sflag:s22] =	ssyncset.done $0x0  }
0xa0: {  	[sflag:s22] =	ssyncadd.s32 s4;
	_ =	sdelay $0x1  }
0xa1: {  	s23 =	simm.s32 $0x1B8B  }
0xa2: {  	_ =	swait.ge [sflag:s23], $0x1  }
0xa3: {  	[sflag:s23] =	ssyncset.done $0x0  }
0xa4: {  	s25 =	simm.s32 $0x1B8E;
	s24 =	sld [smem:$0x3FFE];
	[sflag:s23] =	ssyncadd.s32 $0xFFFFFFFF  }
0xa5: {  	s26 =	simm.s32 $execute0_lowered;
	[smem:$0x3FD2] =	sst s25  }
0xa6: {  	s5 =	sshll.u32 s26, $0x1;
	_ =	strace $0x80000049;
	[dreg:$0x1] =	wrdreg $0xFFFFFFFF  }
0xa7: {  	s28 =	simm.s32 $_size_execute0_lowered;
	s3 =	sadd.s32 s3, s5;
	[dreg:$0x0] =	wrdreg $0x0  }
0xa8: {  	s5 =	sshll.u32 s28, $0x1;
	[dreg:$0x2] =	wrdreg s3  }
0xa9: {  	[dreg:$0x3] =	wrdreg s5  }
0xaa: {  	[dreg:$0x4] =	wrdreg $0xC0  }
0xab: {  	_ =	task [dreg:s7], $0x5FFFF  }
0xac: {  	[dreg:$0x1] =	wrdreg $0xFFFFFFFF  }
0xad: {  	[dreg:$0x0] =	wrdreg $0x60  }
0xae: {  	[dreg:$0x2] =	wrdreg s24  }
0xaf: {  	[dreg:$0x3] =	wrdreg s2  }
0xb0: {  	[dreg:$0x4] =	wrdreg $0x41000  }
0xb1: {  	[dreg:$0x5] =	wrdreg $0x9  }
0xb2: {  	_ =	task.clear_ibuf [dreg:s7], $0x6FFFF;
	_ =	strace $0x90000049  }
0xb3: {  	s29 =	simm.s32 $0x9;
	_ =	strace $0x8000004B  }
0xb4: {  	_ =	swait.ge [sflag:s29], $0x1  }
0xb5: {  	[sflag:s29] =	ssyncadd.s32 $0xFFFFFFFF  }
0xb6: {  	_ =	strace $0x9000004B  }
0xb7: {  	_ =	sfence  }
0xb8: {  	s30 =	sld [smem:$0x0];
	_ =	sdelay $0x2  }
0xb9: {  	s31 =	sshll.u32 s1, $0xD;
	s1 =	sshrl.u32 s1, $0x2  }
0xba: {  	s3 =	sand.u32 $0x4000, s31;
	s1 =	sadd.s32 s1, s30  }
0xbb: {  	s0 =	sor.u32 s3, s0;
	s1 =	sshll.u32 s1, $0x11  }
0xbc: {  	s0 =	sor.u32 s1, s0  }
0xbd: {  	s0 =	sadd.s32 $0x8F2B, s0  }
0xbe: {  	[sflag:s0] =	ssyncadd.remote.s32 $0x1  }
0xbf: {  	_ =	sfence.sel $0xFFFF  }
0xc0: {  	[dreg:$0x0] =	wrdreg $0xFFFFFFFF;
	(pc) =	sbr.abs _section_cstart, $3  }
0xc1: {  	[dreg:$0x1] =	wrdreg $0xFFFFFFFF  }
0xc2: {  	_ =	task.clear_ibuf [dreg:s7], $0x2FFFF;
	_ =	strace $0x9FFFFFFF  }
0xc3: {  	(tm) =	ssettm $0x7FFFFFFF  }
tec
execute0_lowered:
.L_overlay_start_1:
0x0: {  	(tag) =	ssettag $0x1  }
0x1: {  	s5 =	rddreg [dreg:$0x0]  }
0x2: {  	s12 =	rddreg [dreg:$0x1];
	s0 =	srdreg.scid  }
0x3: {  	s1 =	rddreg [dreg:$0x2];
	s2 =	stileid.u32  }
0x4: {  	s3 =	simm.s32 $0x0;
	s16 =	simm.s32 $0x80;
	s8 =	smul.u32 $0x2800, s2  }
0x5: {  	s6 =	sand.u32 $0x1, s0;
	s0 =	rddreg [dreg:$0x3];
	s9 =	smul.u32 $0x50000, s2  }
0x6: {  	s19 =	simm.s32 $0x0;
	[smem:$0x7FF] =	sst s3;
	s15 =	smul.u32 $0x4F0, s2  }
0x7: {  	s4 =	sadd.s32 $0x5B400, s5;
	s17 =	sshll.u32 s2, $0x6;
	s13 =	smul.u32 $0x4F00, s6  }
0x8: {  	s7 =	smul.u32 $0x28000, s6;
	_ =	strace $0x8000004A;
	s6 =	ssub.s32 $0x2, s6  }
0x9: {  	s17 =	sor.u32 $0x1C01, s17;
	s30 =	sshrl.u32 s6, $0x1;
	s9 =	sshrl.u32 s9, $0x2  }
0xa: {  	s14 =	sadd.s32 s13, s5;
	s7 =	sadd.s32 s8, s7;
	s8 =	ssub.s32 s6, s30  }
0xb: {  	s12 =	sadd.s32 s13, s12;
	s7 =	sadd.s32 s7, s5;
	s5 =	sadd.s32 s9, s1  }
0xc: {  	s31 =	sadd.s32 s15, s14;
	s12 =	sadd.s32 s15, s12;
	s14 =	simm.s32 $0x100  }
0xd: {  	s15 =	simm.s32 $0x1;
	s6 =	sadd.s32 $0x83400, s7;
	s7 =	smax.u32 s8, $0x1  }
0xe: {  	s8 =	sadd.s32 $0x4000, s5;
	s9 =	sadd.s32 $0x8000, s5;
	s10 =	sadd.s32 $0xC000, s5  }
0xf: {  	v0 =	vimm.f32 $0.0e+00;
	s11 =	sadd.s32 $0x10000, s5;
	s13 =	sadd.s32 $0x1600, s31;
	s18 =	sshrl.u32 s5, $0x3  }
.LBB2_1:
0x10: {  	s20 =	simm.s32 $0x0;
	s21 =	simm.s32 $0x200  }
.LBB2_2:
0x11: {  	p0 =	sne.s32 s21, $0xFE00;
	[tilespmem:s20+$0x170] =	vst v0  }
0x12: {  	[tilespmem:s20+$0x100] =	vst v0  }
0x13: {  	[tilespmem:s20+$0x110] =	vst v0  }
.Ltmp0:
0x14: {  	[tilespmem:s20+$0x120] =	vst v0;
	(pc) =	sbr.rel @p0 .LBB2_2-.Ltmp0, $4  }
0x15: {  	[tilespmem:s20+$0x130] =	vst v0  }
0x16: {  	[tilespmem:s20+$0x140] =	vst v0  }
0x17: {  	[tilespmem:s20+$0x150] =	vst v0  }
0x18: {  	[tilespmem:s20+$0x160] =	vst v0;
	s20 =	sshra.s32 s21, $0x2;
	s21 =	sadd.s32 $0x200, s21  }
0x19: {  	[tilespmem:s20+$0x170] =	vst v0  }
0x1a: {  	[tilespmem:s20+$0x100] =	vst v0  }
0x1b: {  	[tilespmem:s20+$0x110] =	vst v0  }
0x1c: {  	[tilespmem:s20+$0x120] =	vst v0  }
0x1d: {  	[tilespmem:s20+$0x130] =	vst v0  }
0x1e: {  	[tilespmem:s20+$0x140] =	vst v0  }
0x1f: {  	[tilespmem:s20+$0x150] =	vst v0  }
0x20: {  	[tilespmem:s20+$0x160] =	vst v0  }
0x21: {  	[spmem:s5] =	stream.linear.scatter [tilespmem:s14], [sflag:$0x1], $0x4000, $0x38;
	[tilespmem:$0x18100] =	vst v63  }
0x22: {  	_ =	swait.ge [sflag:s15], $0x4000  }
0x23: {  	[sflag:s15] =	ssyncset.done $0x0  }
0x24: {  	[sflag:s15] =	ssyncadd.s32 $0xFFFFC000  }
0x25: {  	[spmem:s8] =	stream.linear.scatter [tilespmem:s14], [sflag:$0x1], $0x4000, $0x38;
	[tilespmem:$0x18100] =	vst v63  }
0x26: {  	_ =	swait.ge [sflag:s15], $0x4000  }
0x27: {  	[sflag:s15] =	ssyncset.done $0x0  }
0x28: {  	[sflag:s15] =	ssyncadd.s32 $0xFFFFC000  }
0x29: {  	[spmem:s9] =	stream.linear.scatter [tilespmem:s14], [sflag:$0x1], $0x4000, $0x38;
	[tilespmem:$0x18100] =	vst v63  }
0x2a: {  	_ =	swait.ge [sflag:s15], $0x4000  }
0x2b: {  	[sflag:s15] =	ssyncset.done $0x0  }
0x2c: {  	[sflag:s15] =	ssyncadd.s32 $0xFFFFC000  }
0x2d: {  	[spmem:s10] =	stream.linear.scatter [tilespmem:s14], [sflag:$0x1], $0x4000, $0x38;
	[tilespmem:$0x18100] =	vst v63  }
0x2e: {  	_ =	swait.ge [sflag:s15], $0x4000  }
0x2f: {  	[sflag:s15] =	ssyncset.done $0x0  }
0x30: {  	[sflag:s15] =	ssyncadd.s32 $0xFFFFC000  }
0x31: {  	[spmem:s11] =	stream.linear.scatter [tilespmem:s14], [sflag:$0x1], $0x4000, $0x38;
	[tilespmem:$0x18100] =	vst v63  }
0x32: {  	_ =	swait.ge [sflag:s15], $0x4000  }
0x33: {  	[sflag:s15] =	ssyncset.done $0x0  }
0x34: {  	[sflag:s15] =	ssyncadd.s32 $0xFFFFC000  }
0x35: {  	s30 =	sadd.s32 $0x0, s13;
	[bflag:$0x0] =	sbarrier.arrive $0xFFFF  }
0x36: {  	[tilespmem:s3], [sflag:$0x1] =	stream.linear.gather [hbm4b:s30+s3], $0x80, $0x38;
	[tilespmem:$0x18100] =	vst v63  }
0x37: {  	_ =	swait.ge [sflag:s15], $0x80  }
0x38: {  	[sflag:s15] =	ssyncset.done $0x0  }
0x39: {  	s31 =	sadd.s32 $0x0, s12;
	[sflag:s15] =	ssyncadd.s32 $0xFFFFFF80  }
0x3a: {  	[tilespmem:s16], [sflag:$0x1] =	stream.linear.gather [hbm4b:s31+s3], $0x80, $0x38;
	[tilespmem:$0x18100] =	vst v63  }
0x3b: {  	_ =	swait.ge [sflag:s15], $0x80  }
0x3c: {  	[sflag:s15] =	ssyncset.done $0x0  }
0x3d: {  	[sflag:s15] =	ssyncadd.s32 $0xFFFFFF80  }
0x3e: {  	[tilespmem:s14], [sflag:$0x1] =	stream.indirect.gather [hbm4b:s4+s16], $0x80, s3, s16, $0xb8;
	[tilespmem:$0x18100] =	vst v63  }
0x3f: {  	_ =	swait.ge [sflag:s15], $0x4000  }
0x40: {  	[sflag:s15] =	ssyncset.done $0x0  }
0x41: {  	[sflag:s15] =	ssyncadd.s32 $0xFFFFC000  }
0x42: {  	[spmem:s1] =	stream.indirect.scatter.add.f32 [tilespmem:s14], [sflag:$0x1], $0x80, s16, s16, $0xb8;
	[tilespmem:$0x18100] =	vst v63  }
0x43: {  	_ =	swait.ge [sflag:s15], $0x4000  }
0x44: {  	s20 =	simm.s32 $0x10;
	s21 =	simm.s32 $0x20;
	[sflag:s15] =	ssyncset.done $0x0  }
.LBB2_4:
0x45: {  	s22 =	sadd.s32 s20, s13  }
0x46: {  	[sflag:s15] =	ssyncadd.s32 $0xFFFFC000;
	s23 =	smov.u32 s21;
	s24 =	sadd.s32 $0x10, s21  }
0x47: {  	[tilespmem:s3], [sflag:$0x1] =	stream.linear.gather [hbm4b:s22+s3], $0x80, $0x38;
	[tilespmem:$0x18100] =	vst v63  }
0x48: {  	p0 =	sne.s32 s21, $0x4E0;
	_ =	swait.ge [sflag:s15], $0x80  }
0x49: {  	[sflag:s15] =	ssyncset.done $0x0  }
0x4a: {  	s21 =	sadd.s32 s20, s12;
	s20 =	smov.u32 s23;
	[sflag:s15] =	ssyncadd.s32 $0xFFFFFF80  }
0x4b: {  	[tilespmem:s16], [sflag:$0x1] =	stream.linear.gather [hbm4b:s21+s3], $0x80, $0x38;
	[tilespmem:$0x18100] =	vst v63  }
0x4c: {  	_ =	swait.ge [sflag:s15], $0x80  }
0x4d: {  	[sflag:s15] =	ssyncset.done $0x0  }
0x4e: {  	[sflag:s15] =	ssyncadd.s32 $0xFFFFFF80  }
0x4f: {  	[tilespmem:s14], [sflag:$0x1] =	stream.indirect.gather [hbm4b:s4+s16], $0x80, s3, s16, $0xb8;
	[tilespmem:$0x18100] =	vst v63  }
0x50: {  	_ =	swait.ge [sflag:s15], $0x4000  }
.Ltmp1:
0x51: {  	[sflag:s15] =	ssyncset.done $0x0;
	(pc) =	sbr.rel @p0 .LBB2_4-.Ltmp1, $4  }
0x52: {  	[sflag:s15] =	ssyncadd.s32 $0xFFFFC000  }
0x53: {  	[spmem:s1] =	stream.indirect.scatter.add.f32 [tilespmem:s14], [sflag:$0x1], $0x80, s16, s16, $0xb8;
	[tilespmem:$0x18100] =	vst v63  }
0x54: {  	_ =	swait.ge [sflag:s15], $0x4000  }
0x55: {  	s21 =	smov.u32 s24;
	[sflag:s15] =	ssyncset.done $0x0  }
0x56: {  	s21 =	sadd.s32 s20, s13;
	[sflag:s15] =	ssyncadd.s32 $0xFFFFC000  }
0x57: {  	[tilespmem:s3], [sflag:$0x1] =	stream.linear.gather [hbm4b:s21+s3], $0x80, $0x38;
	[tilespmem:$0x18100] =	vst v63  }
0x58: {  	_ =	swait.ge [sflag:s15], $0x80  }
0x59: {  	[sflag:s15] =	ssyncset.done $0x0  }
0x5a: {  	s31 =	sadd.s32 s20, s12;
	[sflag:s15] =	ssyncadd.s32 $0xFFFFFF80  }
0x5b: {  	[tilespmem:s16], [sflag:$0x1] =	stream.linear.gather [hbm4b:s31+s3], $0x80, $0x38;
	[tilespmem:$0x18100] =	vst v63  }
0x5c: {  	_ =	swait.ge [sflag:s15], $0x80  }
0x5d: {  	[sflag:s15] =	ssyncset.done $0x0  }
0x5e: {  	[sflag:s15] =	ssyncadd.s32 $0xFFFFFF80  }
0x5f: {  	[tilespmem:s14], [sflag:$0x1] =	stream.indirect.gather [hbm4b:s4+s16], $0x80, s3, s16, $0xb8;
	[tilespmem:$0x18100] =	vst v63  }
0x60: {  	_ =	swait.ge [sflag:s15], $0x4000  }
0x61: {  	[sflag:s15] =	ssyncset.done $0x0  }
0x62: {  	[sflag:s15] =	ssyncadd.s32 $0xFFFFC000  }
0x63: {  	[spmem:s1] =	stream.indirect.scatter.add.f32 [tilespmem:s14], [sflag:$0x1], $0x80, s16, s16, $0xb8;
	[tilespmem:$0x18100] =	vst v63  }
0x64: {  	_ =	swait.ge [sflag:s15], $0x4000  }
0x65: {  	s19 =	sadd.s32 $0x1, s19;
	[sflag:s15] =	ssyncset.done $0x0  }
0x66: {  	p0 =	sne.s32 s19, s7;
	[sflag:s15] =	ssyncadd.s32 $0xFFFFC000  }
.Ltmp2:
0x67: {  	[bflag:$0x0] =	sbarrier.arrive $0xFFFF;
	(pc) =	sbr.rel @p0 .LBB2_1-.Ltmp2, $4  }
0x68: {  	[hbm:s6], [sflag:s17] =	dma.local [spmem:s18], $0x2800  }
0x69: {  	_ =	swait.ge [sflag:s15], $0x2800  }
0x6a: {  	[sflag:s15] =	ssyncset.done $0x0  }
0x6b: {  	[sflag:s15] =	ssyncadd.s32 $0xFFFFD800  }
0x6c: {  	_ =	sfence.sel $0x180000  }
0x6d: {  	[bflag:$0x0] =	sbarrier.arrive $0xFFFF  }
0x6e: {  	p0 =	sne.s32 s2, $0x0;
	_ =	strace $0x9000004A  }
0x6f: {  	s0 =	sadd.s32 @!p0 $0x100000, s0;
	[bflag:$0x2] =	sbarrier.arrive $0xFFFF  }
0x70: {  	[sflag:s0] =	ssyncadd.tile.s32 @!p0 $0x1;
	_ =	shalt  }
.Lfunc_end2:
_tile_overlayer_lowered:
.L_overlay_start_2:
0x71: {  	(tag) =	ssettag $0x2  }
0x72: {  	s0 =	rddreg [dreg:$0x0];
	s2 =	stileid.u32  }
0x73: {  	s1 =	rddreg [dreg:$0x1];
	p0 =	sne.s32 s2, $0x0  }
0x74: {  	s3 =	rddreg [dreg:$0x2];
	[bflag:$0x3] =	sbarrier.arrive $0xFFFF;
	s2 =	simm.s32 @!p0 $0x1C01  }
0x75: {  	[timem:s3], [sflag:s2] =	dma.local @!p0 [hbm:s0], s1  }
0x76: {  	s0 =	simm.s32 @!p0 $0x1  }
0x77: {  	_ =	swait.ge @!p0 [sflag:s0], s1  }
0x78: {  	s1 =	ssub.s32 @!p0 $0x0, s1;
	[sflag:s0] =	ssyncset.done @!p0 $0x0  }
0x79: {  	[sflag:s0] =	ssyncadd.s32 @!p0 s1  }
0x7a: {  	[bflag:$0x3] =	sbarrier.arrive $0xFFFF  }
0x7b: {  	_ =	shalt  }

</sc_bundles>
